<compile_context>
chip_gen: v7x
topology: tpu7x:2x2x1
jax: 0.10.2.dev20260603
libtpu: 0.0.44.dev20260713+nightly
codegen_flags: <defaults>
</compile_context>

<pallas_src>
import functools

import jax
import jax.numpy as jnp
import numpy as np
from jax import lax
from jax.experimental import pallas as pl
from jax.experimental.pallas import tpu as pltpu
from jax.experimental.pallas import tpu_sc as plsc

QDIM = 64
LDIM = QDIM + QDIM * (QDIM - 1) // 2
ODIM = QDIM * QDIM
BATCH = 4096

NUM_CORES = 2
NUM_SUBCORES = 16
NUM_WORKERS = NUM_CORES * NUM_SUBCORES
ROWS_PER_WORKER = BATCH // NUM_WORKERS
CHUNK_ROWS = 4
NUM_CHUNKS = ROWS_PER_WORKER // CHUNK_ROWS
LANES = 16
GROUPS_PER_MROW = QDIM // LANES


def _build_index_map() -> np.ndarray:
    i = np.arange(QDIM)[:, None]
    j = np.arange(QDIM)[None, :]
    lower = QDIM + i * (i - 1) // 2 + j
    upper = QDIM + j * (j - 1) // 2 + i
    idx = np.where(i == j, i, np.where(i > j, lower, upper))
    return idx.reshape(-1).astype(np.int32)


_IDX_NP = _build_index_map()


@functools.cache
def _make_symm_fill():
    mesh = plsc.VectorSubcoreMesh(core_axis_name="c", subcore_axis_name="s")

    @functools.partial(
        pl.kernel,
        mesh=mesh,
        out_type=jax.ShapeDtypeStruct((BATCH, QDIM, QDIM), jnp.float32),
        scratch_types=[
            pltpu.VMEM((ODIM,), jnp.int32),
            pltpu.VMEM((CHUNK_ROWS, LDIM), jnp.float32),
            pltpu.VMEM((CHUNK_ROWS, LDIM), jnp.float32),
            pltpu.VMEM((CHUNK_ROWS, QDIM, QDIM), jnp.float32),
            pltpu.VMEM((CHUNK_ROWS, QDIM, QDIM), jnp.float32),
            pltpu.SemaphoreType.DMA,
            pltpu.SemaphoreType.DMA,
            pltpu.SemaphoreType.DMA,
            pltpu.SemaphoreType.DMA,
        ],
        compiler_params=pltpu.CompilerParams(needs_layout_passes=False),
    )
    def _symm_fill(l_hbm, idx_hbm, out_hbm, idx_v,
                   in_a, in_b, out_a, out_b, sin_a, sin_b, sout_a, sout_b):
        ins = (in_a, in_b)
        outs = (out_a, out_b)
        sins = (sin_a, sin_b)
        souts = (sout_a, sout_b)
        wid = lax.axis_index("s") * NUM_CORES + lax.axis_index("c")
        base = wid * ROWS_PER_WORKER
        pltpu.sync_copy(idx_hbm, idx_v)

        def in_copy(ci, b):
            row0 = base + ci * CHUNK_ROWS
            return pltpu.make_async_copy(
                l_hbm.at[pl.ds(row0, CHUNK_ROWS)], ins[b], sins[b])

        def out_copy(ci, b):
            row0 = base + ci * CHUNK_ROWS
            return pltpu.make_async_copy(
                outs[b], out_hbm.at[pl.ds(row0, CHUNK_ROWS)], souts[b])

        in_copy(0, 0).start()

        def do_pair(k, carry):
            ci0 = 2 * k
            for b in range(2):
                ci = ci0 + b
                in_copy(ci, b).wait()

                @pl.when(ci < NUM_CHUNKS - 1)
                def _():
                    in_copy(ci + 1, 1 - b).start()

                @pl.when(ci >= 2)
                def _():
                    out_copy(ci - 2, b).wait()

                @plsc.parallel_loop(0, QDIM, unroll=4)
                def do_mrow(i, in_v=ins[b], out_v=outs[b]):
                    dbl = jnp.where(i >= QDIM // 2, 2.0, 1.0).astype(
                        jnp.float32)
                    for g in range(GROUPS_PER_MROW):
                        off = i * QDIM + g * LANES
                        col = idx_v[pl.ds(off, LANES)]
                        sc = dbl if g < GROUPS_PER_MROW // 2 else 1.0
                        for r in range(CHUNK_ROWS):
                            rowvec = jnp.full((LANES,), r, jnp.int32)
                            vals = plsc.load_gather(in_v, [rowvec, col])
                            out_v[r, i, pl.ds(g * LANES, LANES)] = vals * sc

                out_copy(ci, b).start()
            return carry

        lax.fori_loop(0, NUM_CHUNKS // 2, do_pair, 0, unroll=False)
        out_copy(NUM_CHUNKS - 2, 0).wait()
        out_copy(NUM_CHUNKS - 1, 1).wait()

    return _symm_fill


def kernel(l):
    idx = jnp.asarray(_IDX_NP)
    return _make_symm_fill()(l, idx)

# --- scband reference (transcript-rebuilt; emitter-appended) ---
"""Pipeline reference for scband-symm-mat-net-57844619542934 (READ-ONLY COPY).

The authoritative reference and input builder live on the scoring server;
editing this copy changes nothing except your own understanding.
"""

import jax, jax.numpy as jnp
import numpy as np

QDIM = 64
BATCH = 4096
LDIM = QDIM + QDIM * (QDIM - 1) // 2


def setup_inputs(seed: int = 0) -> dict:
    key = jax.random.key(seed)
    l = jax.random.normal(key, (BATCH, LDIM), dtype=jnp.float32)
    return {"l": l}


def reference(l):
    qdim = QDIM
    batch = l.shape[0]
    # strictly-lower-triangular scatter (bfill_lowertriangle with offset -1)
    rows, cols = np.tril_indices(qdim, k=-1)
    rows = jnp.asarray(rows)
    cols = jnp.asarray(cols)
    L_tril = jnp.zeros((batch, qdim, qdim), dtype=l.dtype)
    if qdim > 1:
        l_tril = l[:, qdim:]
        L_tril = L_tril.at[:, rows, cols].set(l_tril)
    # diagonal scatter (bfill_diagonal)
    diag_idx = jnp.arange(qdim)
    l_diag = l[:, :qdim]
    SM = jnp.zeros((batch, qdim, qdim), dtype=l.dtype)
    SM = SM.at[:, diag_idx, diag_idx].set(l_diag)
    SM = SM + L_tril + jnp.swapaxes(L_tril, -2, -1)
    return SM

if __name__ == "__main__":
    import jax
    _d = setup_inputs()
    print(jax.jit(kernel)(*tuple(_d.values())))

</pallas_src>

<mosaic_0001>
#map = affine_map<(d0, d1) -> (0, 0)>
#map1 = affine_map<(d0, d1) -> (0)>
#map2 = affine_map<(d0, d1) -> (0, 0, 0)>
module attributes {stable_mosaic.version = 14 : i64} {
  func.func @_symm_fill(%arg0: i32, %arg1: i32, %arg2: memref<4096x2080xf32, #tpu.memory_space<hbm>>, %arg3: memref<4096xi32, #tpu.memory_space<hbm>>, %arg4: memref<4096x64x64xf32, #tpu.memory_space<hbm>>, %arg5: memref<4096xi32, #tpu.memory_space<vmem>>, %arg6: memref<4x2080xf32, #tpu.memory_space<vmem>>, %arg7: memref<4x2080xf32, #tpu.memory_space<vmem>>, %arg8: memref<4x64x64xf32, #tpu.memory_space<vmem>>, %arg9: memref<4x64x64xf32, #tpu.memory_space<vmem>>, %arg10: memref<!tpu.dma_semaphore, #tpu.memory_space<semaphore_mem>>, %arg11: memref<!tpu.dma_semaphore, #tpu.memory_space<semaphore_mem>>, %arg12: memref<!tpu.dma_semaphore, #tpu.memory_space<semaphore_mem>>, %arg13: memref<!tpu.dma_semaphore, #tpu.memory_space<semaphore_mem>>) attributes {dimension_semantics = [#tpu.dimension_semantics<core_parallel>, #tpu.dimension_semantics<subcore_parallel>], iteration_bounds = array<i64: 2, 16>, scalar_prefetch = 0 : i64, scratch_operands = 9 : i64, tpu.core_type = #tpu.core_type<sc_vector_subcore>, window_params = [{transform_indices = #map}, {transform_indices = #map1}, {transform_indices = #map2}]} {
    %mul3A = arith.constant 2 : i32
    %mul3A_0 = arith.muli %arg1, %mul3A : i32
    %add3A = arith.addi %mul3A_0, %arg0 : i32
    %mul3A_1 = arith.constant 128 : i32
    %mul3A_2 = arith.muli %add3A, %mul3A_1 : i32
    "tpu.region"() ({
      %run_scoped3A = tpu.sem_alloc : memref<!tpu.dma_semaphore, #tpu.memory_space<semaphore_mem>>
      tpu.enqueue_dma source(%arg3 : memref<4096xi32, #tpu.memory_space<hbm>>) target(%arg5 : memref<4096xi32, #tpu.memory_space<vmem>>) target_semaphore(%run_scoped3A : memref<!tpu.dma_semaphore, #tpu.memory_space<semaphore_mem>>)
      tpu.wait_dma2 semaphore(%run_scoped3A : memref<!tpu.dma_semaphore, #tpu.memory_space<semaphore_mem>>) src(%arg3 : memref<4096xi32, #tpu.memory_space<hbm>>) dst(%arg5 : memref<4096xi32, #tpu.memory_space<vmem>>)
      tpu.yield
    }) : () -> ()
    %add3A_3 = arith.constant 0 : i32
    %add3A_4 = arith.addi %mul3A_2, %add3A_3 : i32
    %dma_start3A = arith.constant 0 : i32
    %dma_start3A_5 = tpu.memref_slice %arg2[%add3A_4, %dma_start3A] : memref<4096x2080xf32, #tpu.memory_space<hbm>> -> memref<4x2080xf32, #tpu.memory_space<hbm>>
    %dma_start3A_6 = arith.constant 0 : i32
    %dma_start3A_7 = tpu.memref_slice %arg2[%add3A_4, %dma_start3A_6] : memref<4096x2080xf32, #tpu.memory_space<hbm>> -> memref<4x2080xf32, #tpu.memory_space<hbm>>
    tpu.enqueue_dma source(%dma_start3A_7 : memref<4x2080xf32, #tpu.memory_space<hbm>>) target(%arg6 : memref<4x2080xf32, #tpu.memory_space<vmem>>) target_semaphore(%arg10 : memref<!tpu.dma_semaphore, #tpu.memory_space<semaphore_mem>>)
    %scan3A = arith.constant 0 : i32
    %scan3A_8 = arith.constant 0 : i32
    %scan3A_9 = arith.constant 16 : i32
    %scan3A_10 = arith.addi %scan3A_8, %scan3A_9 : i32
    %scan3A_11 = arith.constant 1 : i32
    scf.for %scan3A_28 = %scan3A_8 to %scan3A_10 step %scan3A_11  : i32 {
      %mul3A_29 = arith.constant 2 : i32
      %mul3A_30 = arith.muli %mul3A_29, %scan3A_28 : i32
      %add3A_31 = arith.constant 0 : i32
      %add3A_32 = arith.addi %mul3A_30, %add3A_31 : i32
      %mul3A_33 = arith.constant 4 : i32
      %mul3A_34 = arith.muli %add3A_32, %mul3A_33 : i32
      %add3A_35 = arith.addi %mul3A_2, %mul3A_34 : i32
      %dma_wait3A_36 = arith.constant 0 : i32
      %dma_wait3A_37 = tpu.memref_slice %arg2[%add3A_35, %dma_wait3A_36] : memref<4096x2080xf32, #tpu.memory_space<hbm>> -> memref<4x2080xf32, #tpu.memory_space<hbm>>
      %dma_wait3A_38 = arith.constant 0 : i32
      %dma_wait3A_39 = tpu.memref_slice %arg2[%add3A_35, %dma_wait3A_38] : memref<4096x2080xf32, #tpu.memory_space<hbm>> -> memref<4x2080xf32, #tpu.memory_space<hbm>>
      tpu.wait_dma2 semaphore(%arg10 : memref<!tpu.dma_semaphore, #tpu.memory_space<semaphore_mem>>) src(%dma_wait3A_39 : memref<4x2080xf32, #tpu.memory_space<hbm>>) dst(%arg6 : memref<4x2080xf32, #tpu.memory_space<vmem>>)
      %lt3A = arith.constant 31 : i32
      %lt3A_40 = arith.cmpi slt, %add3A_32, %lt3A : i32
      %convert_element_type3A = arith.extui %lt3A_40 : i1 to i32
      %cond3A = arith.constant 0 : i32
      %cond3A_41 = arith.cmpi ne, %convert_element_type3A, %cond3A : i32
      scf.if %cond3A_41 {
        %add3A_88 = arith.constant 1 : i32
        %add3A_89 = arith.addi %add3A_32, %add3A_88 : i32
        %mul3A_90 = arith.constant 4 : i32
        %mul3A_91 = arith.muli %add3A_89, %mul3A_90 : i32
        %add3A_92 = arith.addi %mul3A_2, %mul3A_91 : i32
        %dma_start3A_93 = arith.constant 0 : i32
        %dma_start3A_94 = tpu.memref_slice %arg2[%add3A_92, %dma_start3A_93] : memref<4096x2080xf32, #tpu.memory_space<hbm>> -> memref<4x2080xf32, #tpu.memory_space<hbm>>
        %dma_start3A_95 = arith.constant 0 : i32
        %dma_start3A_96 = tpu.memref_slice %arg2[%add3A_92, %dma_start3A_95] : memref<4096x2080xf32, #tpu.memory_space<hbm>> -> memref<4x2080xf32, #tpu.memory_space<hbm>>
        tpu.enqueue_dma source(%dma_start3A_96 : memref<4x2080xf32, #tpu.memory_space<hbm>>) target(%arg7 : memref<4x2080xf32, #tpu.memory_space<vmem>>) target_semaphore(%arg11 : memref<!tpu.dma_semaphore, #tpu.memory_space<semaphore_mem>>)
      } else {
      }
      %ge3A = arith.constant 2 : i32
      %ge3A_42 = arith.cmpi sge, %add3A_32, %ge3A : i32
      %convert_element_type3A_43 = arith.extui %ge3A_42 : i1 to i32
      %cond3A_44 = arith.constant 0 : i32
      %cond3A_45 = arith.cmpi ne, %convert_element_type3A_43, %cond3A_44 : i32
      scf.if %cond3A_45 {
        %sub3A = arith.constant 2 : i32
        %sub3A_88 = arith.subi %add3A_32, %sub3A : i32
        %mul3A_89 = arith.constant 4 : i32
        %mul3A_90 = arith.muli %sub3A_88, %mul3A_89 : i32
        %add3A_91 = arith.addi %mul3A_2, %mul3A_90 : i32
        %dma_wait3A_92 = arith.constant 0 : i32
        %dma_wait3A_93 = arith.constant 0 : i32
        %dma_wait3A_94 = tpu.memref_slice %arg4[%add3A_91, %dma_wait3A_92, %dma_wait3A_93] : memref<4096x64x64xf32, #tpu.memory_space<hbm>> -> memref<4x64x64xf32, #tpu.memory_space<hbm>>
        %dma_wait3A_95 = arith.constant 0 : i32
        %dma_wait3A_96 = arith.constant 0 : i32
        %dma_wait3A_97 = tpu.memref_slice %arg4[%add3A_91, %dma_wait3A_95, %dma_wait3A_96] : memref<4096x64x64xf32, #tpu.memory_space<hbm>> -> memref<4x64x64xf32, #tpu.memory_space<hbm>>
        tpu.wait_dma2 semaphore(%arg12 : memref<!tpu.dma_semaphore, #tpu.memory_space<semaphore_mem>>) src(%arg8 : memref<4x64x64xf32, #tpu.memory_space<vmem>>) dst(%dma_wait3A_97 : memref<4x64x64xf32, #tpu.memory_space<hbm>>)
      } else {
      }
      %parallel_loop3A = arith.constant 0 : i32
      %parallel_loop3A_46 = arith.constant 64 : i32
      %parallel_loop3A_47 = arith.constant 1 : i32
      scf.for %parallel_loop3A_88 = %parallel_loop3A to %parallel_loop3A_46 step %parallel_loop3A_47  : i32 {
        %parallel_loop3A_89 = arith.constant 32 : i32
        %parallel_loop3A_90 = arith.cmpi sge, %parallel_loop3A_88, %parallel_loop3A_89 : i32
        %parallel_loop3A_91 = arith.constant 2.000000e+00 : f32
        %parallel_loop3A_92 = arith.constant 1.000000e+00 : f32
        %parallel_loop3A_93 = arith.select %parallel_loop3A_90, %parallel_loop3A_91, %parallel_loop3A_92 : f32
        %parallel_loop3A_94 = arith.constant 64 : i32
        %parallel_loop3A_95 = arith.muli %parallel_loop3A_88, %parallel_loop3A_94 : i32
        %parallel_loop3A_96 = arith.constant 0 : i32
        %parallel_loop3A_97 = arith.addi %parallel_loop3A_95, %parallel_loop3A_96 : i32
        %parallel_loop3A_98 = arith.index_cast %parallel_loop3A_97 : i32 to index
        %parallel_loop3A_99 = tpu.vector_load %arg5[%parallel_loop3A_98] {strides = array<i32>} : memref<4096xi32, #tpu.memory_space<vmem>>, vector<16xi32>,
        %parallel_loop3A_100 = arith.constant 0 : i32
        %parallel_loop3A_101 = vector.broadcast %parallel_loop3A_100 : i32 to vector<16xi32>
        %parallel_loop3A_102 = tpu.vector_load_idx %arg6[%parallel_loop3A_101, %parallel_loop3A_99] : memref<4x2080xf32, #tpu.memory_space<vmem>>[vector<16xi32>, vector<16xi32>], vector<16xf32>,
        %parallel_loop3A_103 = vector.broadcast %parallel_loop3A_93 : f32 to vector<16xf32>
        %parallel_loop3A_104 = arith.mulf %parallel_loop3A_102, %parallel_loop3A_103 : vector<16xf32>
        %parallel_loop3A_105 = arith.constant 0 : i32
        %parallel_loop3A_106 = arith.index_cast %parallel_loop3A_105 : i32 to index
        %parallel_loop3A_107 = arith.index_cast %parallel_loop3A_88 : i32 to index
        %parallel_loop3A_108 = arith.constant 0 : index
        %parallel_loop3A_109 = tpu.vector_load %arg8[%parallel_loop3A_106, %parallel_loop3A_107, %parallel_loop3A_108] {strides = array<i32>} : memref<4x64x64xf32, #tpu.memory_space<vmem>>, vector<16xf32>,
        tpu.vector_store %arg8[%parallel_loop3A_106, %parallel_loop3A_107, %parallel_loop3A_108], %parallel_loop3A_104 {strides = array<i32>} : memref<4x64x64xf32, #tpu.memory_space<vmem>>, vector<16xf32>,
        %parallel_loop3A_110 = arith.constant 1 : i32
        %parallel_loop3A_111 = vector.broadcast %parallel_loop3A_110 : i32 to vector<16xi32>
        %parallel_loop3A_112 = tpu.vector_load_idx %arg6[%parallel_loop3A_111, %parallel_loop3A_99] : memref<4x2080xf32, #tpu.memory_space<vmem>>[vector<16xi32>, vector<16xi32>], vector<16xf32>,
        %parallel_loop3A_113 = vector.broadcast %parallel_loop3A_93 : f32 to vector<16xf32>
        %parallel_loop3A_114 = arith.mulf %parallel_loop3A_112, %parallel_loop3A_113 : vector<16xf32>
        %parallel_loop3A_115 = arith.constant 1 : i32
        %parallel_loop3A_116 = arith.index_cast %parallel_loop3A_115 : i32 to index
        %parallel_loop3A_117 = arith.index_cast %parallel_loop3A_88 : i32 to index
        %parallel_loop3A_118 = arith.constant 0 : index
        %parallel_loop3A_119 = tpu.vector_load %arg8[%parallel_loop3A_116, %parallel_loop3A_117, %parallel_loop3A_118] {strides = array<i32>} : memref<4x64x64xf32, #tpu.memory_space<vmem>>, vector<16xf32>,
        tpu.vector_store %arg8[%parallel_loop3A_116, %parallel_loop3A_117, %parallel_loop3A_118], %parallel_loop3A_114 {strides = array<i32>} : memref<4x64x64xf32, #tpu.memory_space<vmem>>, vector<16xf32>,
        %parallel_loop3A_120 = arith.constant 2 : i32
        %parallel_loop3A_121 = vector.broadcast %parallel_loop3A_120 : i32 to vector<16xi32>
        %parallel_loop3A_122 = tpu.vector_load_idx %arg6[%parallel_loop3A_121, %parallel_loop3A_99] : memref<4x2080xf32, #tpu.memory_space<vmem>>[vector<16xi32>, vector<16xi32>], vector<16xf32>,
        %parallel_loop3A_123 = vector.broadcast %parallel_loop3A_93 : f32 to vector<16xf32>
        %parallel_loop3A_124 = arith.mulf %parallel_loop3A_122, %parallel_loop3A_123 : vector<16xf32>
        %parallel_loop3A_125 = arith.constant 2 : i32
        %parallel_loop3A_126 = arith.index_cast %parallel_loop3A_125 : i32 to index
        %parallel_loop3A_127 = arith.index_cast %parallel_loop3A_88 : i32 to index
        %parallel_loop3A_128 = arith.constant 0 : index
        %parallel_loop3A_129 = tpu.vector_load %arg8[%parallel_loop3A_126, %parallel_loop3A_127, %parallel_loop3A_128] {strides = array<i32>} : memref<4x64x64xf32, #tpu.memory_space<vmem>>, vector<16xf32>,
        tpu.vector_store %arg8[%parallel_loop3A_126, %parallel_loop3A_127, %parallel_loop3A_128], %parallel_loop3A_124 {strides = array<i32>} : memref<4x64x64xf32, #tpu.memory_space<vmem>>, vector<16xf32>,
        %parallel_loop3A_130 = arith.constant 3 : i32
        %parallel_loop3A_131 = vector.broadcast %parallel_loop3A_130 : i32 to vector<16xi32>
        %parallel_loop3A_132 = tpu.vector_load_idx %arg6[%parallel_loop3A_131, %parallel_loop3A_99] : memref<4x2080xf32, #tpu.memory_space<vmem>>[vector<16xi32>, vector<16xi32>], vector<16xf32>,
        %parallel_loop3A_133 = vector.broadcast %parallel_loop3A_93 : f32 to vector<16xf32>
        %parallel_loop3A_134 = arith.mulf %parallel_loop3A_132, %parallel_loop3A_133 : vector<16xf32>
        %parallel_loop3A_135 = arith.constant 3 : i32
        %parallel_loop3A_136 = arith.index_cast %parallel_loop3A_135 : i32 to index
        %parallel_loop3A_137 = arith.index_cast %parallel_loop3A_88 : i32 to index
        %parallel_loop3A_138 = arith.constant 0 : index
        %parallel_loop3A_139 = tpu.vector_load %arg8[%parallel_loop3A_136, %parallel_loop3A_137, %parallel_loop3A_138] {strides = array<i32>} : memref<4x64x64xf32, #tpu.memory_space<vmem>>, vector<16xf32>,
        tpu.vector_store %arg8[%parallel_loop3A_136, %parallel_loop3A_137, %parallel_loop3A_138], %parallel_loop3A_134 {strides = array<i32>} : memref<4x64x64xf32, #tpu.memory_space<vmem>>, vector<16xf32>,
        %parallel_loop3A_140 = arith.constant 64 : i32
        %parallel_loop3A_141 = arith.muli %parallel_loop3A_88, %parallel_loop3A_140 : i32
        %parallel_loop3A_142 = arith.constant 16 : i32
        %parallel_loop3A_143 = arith.addi %parallel_loop3A_141, %parallel_loop3A_142 : i32
        %parallel_loop3A_144 = arith.index_cast %parallel_loop3A_143 : i32 to index
        %parallel_loop3A_145 = tpu.vector_load %arg5[%parallel_loop3A_144] {strides = array<i32>} : memref<4096xi32, #tpu.memory_space<vmem>>, vector<16xi32>,
        %parallel_loop3A_146 = arith.constant 0 : i32
        %parallel_loop3A_147 = vector.broadcast %parallel_loop3A_146 : i32 to vector<16xi32>
        %parallel_loop3A_148 = tpu.vector_load_idx %arg6[%parallel_loop3A_147, %parallel_loop3A_145] : memref<4x2080xf32, #tpu.memory_space<vmem>>[vector<16xi32>, vector<16xi32>], vector<16xf32>,
        %parallel_loop3A_149 = vector.broadcast %parallel_loop3A_93 : f32 to vector<16xf32>
        %parallel_loop3A_150 = arith.mulf %parallel_loop3A_148, %parallel_loop3A_149 : vector<16xf32>
        %parallel_loop3A_151 = arith.constant 0 : i32
        %parallel_loop3A_152 = arith.index_cast %parallel_loop3A_151 : i32 to index
        %parallel_loop3A_153 = arith.index_cast %parallel_loop3A_88 : i32 to index
        %parallel_loop3A_154 = arith.constant 16 : index
        %parallel_loop3A_155 = tpu.vector_load %arg8[%parallel_loop3A_152, %parallel_loop3A_153, %parallel_loop3A_154] {strides = array<i32>} : memref<4x64x64xf32, #tpu.memory_space<vmem>>, vector<16xf32>,
        tpu.vector_store %arg8[%parallel_loop3A_152, %parallel_loop3A_153, %parallel_loop3A_154], %parallel_loop3A_150 {strides = array<i32>} : memref<4x64x64xf32, #tpu.memory_space<vmem>>, vector<16xf32>,
        %parallel_loop3A_156 = arith.constant 1 : i32
        %parallel_loop3A_157 = vector.broadcast %parallel_loop3A_156 : i32 to vector<16xi32>
        %parallel_loop3A_158 = tpu.vector_load_idx %arg6[%parallel_loop3A_157, %parallel_loop3A_145] : memref<4x2080xf32, #tpu.memory_space<vmem>>[vector<16xi32>, vector<16xi32>], vector<16xf32>,
        %parallel_loop3A_159 = vector.broadcast %parallel_loop3A_93 : f32 to vector<16xf32>
        %parallel_loop3A_160 = arith.mulf %parallel_loop3A_158, %parallel_loop3A_159 : vector<16xf32>
        %parallel_loop3A_161 = arith.constant 1 : i32
        %parallel_loop3A_162 = arith.index_cast %parallel_loop3A_161 : i32 to index
        %parallel_loop3A_163 = arith.index_cast %parallel_loop3A_88 : i32 to index
        %parallel_loop3A_164 = arith.constant 16 : index
        %parallel_loop3A_165 = tpu.vector_load %arg8[%parallel_loop3A_162, %parallel_loop3A_163, %parallel_loop3A_164] {strides = array<i32>} : memref<4x64x64xf32, #tpu.memory_space<vmem>>, vector<16xf32>,
        tpu.vector_store %arg8[%parallel_loop3A_162, %parallel_loop3A_163, %parallel_loop3A_164], %parallel_loop3A_160 {strides = array<i32>} : memref<4x64x64xf32, #tpu.memory_space<vmem>>, vector<16xf32>,
        %parallel_loop3A_166 = arith.constant 2 : i32
        %parallel_loop3A_167 = vector.broadcast %parallel_loop3A_166 : i32 to vector<16xi32>
        %parallel_loop3A_168 = tpu.vector_load_idx %arg6[%parallel_loop3A_167, %parallel_loop3A_145] : memref<4x2080xf32, #tpu.memory_space<vmem>>[vector<16xi32>, vector<16xi32>], vector<16xf32>,
        %parallel_loop3A_169 = vector.broadcast %parallel_loop3A_93 : f32 to vector<16xf32>
        %parallel_loop3A_170 = arith.mulf %parallel_loop3A_168, %parallel_loop3A_169 : vector<16xf32>
        %parallel_loop3A_171 = arith.constant 2 : i32
        %parallel_loop3A_172 = arith.index_cast %parallel_loop3A_171 : i32 to index
        %parallel_loop3A_173 = arith.index_cast %parallel_loop3A_88 : i32 to index
        %parallel_loop3A_174 = arith.constant 16 : index
        %parallel_loop3A_175 = tpu.vector_load %arg8[%parallel_loop3A_172, %parallel_loop3A_173, %parallel_loop3A_174] {strides = array<i32>} : memref<4x64x64xf32, #tpu.memory_space<vmem>>, vector<16xf32>,
        tpu.vector_store %arg8[%parallel_loop3A_172, %parallel_loop3A_173, %parallel_loop3A_174], %parallel_loop3A_170 {strides = array<i32>} : memref<4x64x64xf32, #tpu.memory_space<vmem>>, vector<16xf32>,
        %parallel_loop3A_176 = arith.constant 3 : i32
        %parallel_loop3A_177 = vector.broadcast %parallel_loop3A_176 : i32 to vector<16xi32>
        %parallel_loop3A_178 = tpu.vector_load_idx %arg6[%parallel_loop3A_177, %parallel_loop3A_145] : memref<4x2080xf32, #tpu.memory_space<vmem>>[vector<16xi32>, vector<16xi32>], vector<16xf32>,
        %parallel_loop3A_179 = vector.broadcast %parallel_loop3A_93 : f32 to vector<16xf32>
        %parallel_loop3A_180 = arith.mulf %parallel_loop3A_178, %parallel_loop3A_179 : vector<16xf32>
        %parallel_loop3A_181 = arith.constant 3 : i32
        %parallel_loop3A_182 = arith.index_cast %parallel_loop3A_181 : i32 to index
        %parallel_loop3A_183 = arith.index_cast %parallel_loop3A_88 : i32 to index
        %parallel_loop3A_184 = arith.constant 16 : index
        %parallel_loop3A_185 = tpu.vector_load %arg8[%parallel_loop3A_182, %parallel_loop3A_183, %parallel_loop3A_184] {strides = array<i32>} : memref<4x64x64xf32, #tpu.memory_space<vmem>>, vector<16xf32>,
        tpu.vector_store %arg8[%parallel_loop3A_182, %parallel_loop3A_183, %parallel_loop3A_184], %parallel_loop3A_180 {strides = array<i32>} : memref<4x64x64xf32, #tpu.memory_space<vmem>>, vector<16xf32>,
        %parallel_loop3A_186 = arith.constant 64 : i32
        %parallel_loop3A_187 = arith.muli %parallel_loop3A_88, %parallel_loop3A_186 : i32
        %parallel_loop3A_188 = arith.constant 32 : i32
        %parallel_loop3A_189 = arith.addi %parallel_loop3A_187, %parallel_loop3A_188 : i32
        %parallel_loop3A_190 = arith.index_cast %parallel_loop3A_189 : i32 to index
        %parallel_loop3A_191 = tpu.vector_load %arg5[%parallel_loop3A_190] {strides = array<i32>} : memref<4096xi32, #tpu.memory_space<vmem>>, vector<16xi32>,
        %parallel_loop3A_192 = arith.constant 0 : i32
        %parallel_loop3A_193 = vector.broadcast %parallel_loop3A_192 : i32 to vector<16xi32>
        %parallel_loop3A_194 = tpu.vector_load_idx %arg6[%parallel_loop3A_193, %parallel_loop3A_191] : memref<4x2080xf32, #tpu.memory_space<vmem>>[vector<16xi32>, vector<16xi32>], vector<16xf32>,
        %parallel_loop3A_195 = arith.constant 1.000000e+00 : f32
        %parallel_loop3A_196 = vector.broadcast %parallel_loop3A_195 : f32 to vector<16xf32>
        %parallel_loop3A_197 = arith.mulf %parallel_loop3A_194, %parallel_loop3A_196 : vector<16xf32>
        %parallel_loop3A_198 = arith.constant 0 : i32
        %parallel_loop3A_199 = arith.index_cast %parallel_loop3A_198 : i32 to index
        %parallel_loop3A_200 = arith.index_cast %parallel_loop3A_88 : i32 to index
        %parallel_loop3A_201 = arith.constant 32 : index
        %parallel_loop3A_202 = tpu.vector_load %arg8[%parallel_loop3A_199, %parallel_loop3A_200, %parallel_loop3A_201] {strides = array<i32>} : memref<4x64x64xf32, #tpu.memory_space<vmem>>, vector<16xf32>,
        tpu.vector_store %arg8[%parallel_loop3A_199, %parallel_loop3A_200, %parallel_loop3A_201], %parallel_loop3A_197 {strides = array<i32>} : memref<4x64x64xf32, #tpu.memory_space<vmem>>, vector<16xf32>,
        %parallel_loop3A_203 = arith.constant 1 : i32
        %parallel_loop3A_204 = vector.broadcast %parallel_loop3A_203 : i32 to vector<16xi32>
        %parallel_loop3A_205 = tpu.vector_load_idx %arg6[%parallel_loop3A_204, %parallel_loop3A_191] : memref<4x2080xf32, #tpu.memory_space<vmem>>[vector<16xi32>, vector<16xi32>], vector<16xf32>,
        %parallel_loop3A_206 = arith.constant 1.000000e+00 : f32
        %parallel_loop3A_207 = vector.broadcast %parallel_loop3A_206 : f32 to vector<16xf32>
        %parallel_loop3A_208 = arith.mulf %parallel_loop3A_205, %parallel_loop3A_207 : vector<16xf32>
        %parallel_loop3A_209 = arith.constant 1 : i32
        %parallel_loop3A_210 = arith.index_cast %parallel_loop3A_209 : i32 to index
        %parallel_loop3A_211 = arith.index_cast %parallel_loop3A_88 : i32 to index
        %parallel_loop3A_212 = arith.constant 32 : index
        %parallel_loop3A_213 = tpu.vector_load %arg8[%parallel_loop3A_210, %parallel_loop3A_211, %parallel_loop3A_212] {strides = array<i32>} : memref<4x64x64xf32, #tpu.memory_space<vmem>>, vector<16xf32>,
        tpu.vector_store %arg8[%parallel_loop3A_210, %parallel_loop3A_211, %parallel_loop3A_212], %parallel_loop3A_208 {strides = array<i32>} : memref<4x64x64xf32, #tpu.memory_space<vmem>>, vector<16xf32>,
        %parallel_loop3A_214 = arith.constant 2 : i32
        %parallel_loop3A_215 = vector.broadcast %parallel_loop3A_214 : i32 to vector<16xi32>
        %parallel_loop3A_216 = tpu.vector_load_idx %arg6[%parallel_loop3A_215, %parallel_loop3A_191] : memref<4x2080xf32, #tpu.memory_space<vmem>>[vector<16xi32>, vector<16xi32>], vector<16xf32>,
        %parallel_loop3A_217 = arith.constant 1.000000e+00 : f32
        %parallel_loop3A_218 = vector.broadcast %parallel_loop3A_217 : f32 to vector<16xf32>
        %parallel_loop3A_219 = arith.mulf %parallel_loop3A_216, %parallel_loop3A_218 : vector<16xf32>
        %parallel_loop3A_220 = arith.constant 2 : i32
        %parallel_loop3A_221 = arith.index_cast %parallel_loop3A_220 : i32 to index
        %parallel_loop3A_222 = arith.index_cast %parallel_loop3A_88 : i32 to index
        %parallel_loop3A_223 = arith.constant 32 : index
        %parallel_loop3A_224 = tpu.vector_load %arg8[%parallel_loop3A_221, %parallel_loop3A_222, %parallel_loop3A_223] {strides = array<i32>} : memref<4x64x64xf32, #tpu.memory_space<vmem>>, vector<16xf32>,
        tpu.vector_store %arg8[%parallel_loop3A_221, %parallel_loop3A_222, %parallel_loop3A_223], %parallel_loop3A_219 {strides = array<i32>} : memref<4x64x64xf32, #tpu.memory_space<vmem>>, vector<16xf32>,
        %parallel_loop3A_225 = arith.constant 3 : i32
        %parallel_loop3A_226 = vector.broadcast %parallel_loop3A_225 : i32 to vector<16xi32>
        %parallel_loop3A_227 = tpu.vector_load_idx %arg6[%parallel_loop3A_226, %parallel_loop3A_191] : memref<4x2080xf32, #tpu.memory_space<vmem>>[vector<16xi32>, vector<16xi32>], vector<16xf32>,
        %parallel_loop3A_228 = arith.constant 1.000000e+00 : f32
        %parallel_loop3A_229 = vector.broadcast %parallel_loop3A_228 : f32 to vector<16xf32>
        %parallel_loop3A_230 = arith.mulf %parallel_loop3A_227, %parallel_loop3A_229 : vector<16xf32>
        %parallel_loop3A_231 = arith.constant 3 : i32
        %parallel_loop3A_232 = arith.index_cast %parallel_loop3A_231 : i32 to index
        %parallel_loop3A_233 = arith.index_cast %parallel_loop3A_88 : i32 to index
        %parallel_loop3A_234 = arith.constant 32 : index
        %parallel_loop3A_235 = tpu.vector_load %arg8[%parallel_loop3A_232, %parallel_loop3A_233, %parallel_loop3A_234] {strides = array<i32>} : memref<4x64x64xf32, #tpu.memory_space<vmem>>, vector<16xf32>,
        tpu.vector_store %arg8[%parallel_loop3A_232, %parallel_loop3A_233, %parallel_loop3A_234], %parallel_loop3A_230 {strides = array<i32>} : memref<4x64x64xf32, #tpu.memory_space<vmem>>, vector<16xf32>,
        %parallel_loop3A_236 = arith.constant 64 : i32
        %parallel_loop3A_237 = arith.muli %parallel_loop3A_88, %parallel_loop3A_236 : i32
        %parallel_loop3A_238 = arith.constant 48 : i32
        %parallel_loop3A_239 = arith.addi %parallel_loop3A_237, %parallel_loop3A_238 : i32
        %parallel_loop3A_240 = arith.index_cast %parallel_loop3A_239 : i32 to index
        %parallel_loop3A_241 = tpu.vector_load %arg5[%parallel_loop3A_240] {strides = array<i32>} : memref<4096xi32, #tpu.memory_space<vmem>>, vector<16xi32>,
        %parallel_loop3A_242 = arith.constant 0 : i32
        %parallel_loop3A_243 = vector.broadcast %parallel_loop3A_242 : i32 to vector<16xi32>
        %parallel_loop3A_244 = tpu.vector_load_idx %arg6[%parallel_loop3A_243, %parallel_loop3A_241] : memref<4x2080xf32, #tpu.memory_space<vmem>>[vector<16xi32>, vector<16xi32>], vector<16xf32>,
        %parallel_loop3A_245 = arith.constant 1.000000e+00 : f32
        %parallel_loop3A_246 = vector.broadcast %parallel_loop3A_245 : f32 to vector<16xf32>
        %parallel_loop3A_247 = arith.mulf %parallel_loop3A_244, %parallel_loop3A_246 : vector<16xf32>
        %parallel_loop3A_248 = arith.constant 0 : i32
        %parallel_loop3A_249 = arith.index_cast %parallel_loop3A_248 : i32 to index
        %parallel_loop3A_250 = arith.index_cast %parallel_loop3A_88 : i32 to index
        %parallel_loop3A_251 = arith.constant 48 : index
        %parallel_loop3A_252 = tpu.vector_load %arg8[%parallel_loop3A_249, %parallel_loop3A_250, %parallel_loop3A_251] {strides = array<i32>} : memref<4x64x64xf32, #tpu.memory_space<vmem>>, vector<16xf32>,
        tpu.vector_store %arg8[%parallel_loop3A_249, %parallel_loop3A_250, %parallel_loop3A_251], %parallel_loop3A_247 {strides = array<i32>} : memref<4x64x64xf32, #tpu.memory_space<vmem>>, vector<16xf32>,
        %parallel_loop3A_253 = arith.constant 1 : i32
        %parallel_loop3A_254 = vector.broadcast %parallel_loop3A_253 : i32 to vector<16xi32>
        %parallel_loop3A_255 = tpu.vector_load_idx %arg6[%parallel_loop3A_254, %parallel_loop3A_241] : memref<4x2080xf32, #tpu.memory_space<vmem>>[vector<16xi32>, vector<16xi32>], vector<16xf32>,
        %parallel_loop3A_256 = arith.constant 1.000000e+00 : f32
        %parallel_loop3A_257 = vector.broadcast %parallel_loop3A_256 : f32 to vector<16xf32>
        %parallel_loop3A_258 = arith.mulf %parallel_loop3A_255, %parallel_loop3A_257 : vector<16xf32>
        %parallel_loop3A_259 = arith.constant 1 : i32
        %parallel_loop3A_260 = arith.index_cast %parallel_loop3A_259 : i32 to index
        %parallel_loop3A_261 = arith.index_cast %parallel_loop3A_88 : i32 to index
        %parallel_loop3A_262 = arith.constant 48 : index
        %parallel_loop3A_263 = tpu.vector_load %arg8[%parallel_loop3A_260, %parallel_loop3A_261, %parallel_loop3A_262] {strides = array<i32>} : memref<4x64x64xf32, #tpu.memory_space<vmem>>, vector<16xf32>,
        tpu.vector_store %arg8[%parallel_loop3A_260, %parallel_loop3A_261, %parallel_loop3A_262], %parallel_loop3A_258 {strides = array<i32>} : memref<4x64x64xf32, #tpu.memory_space<vmem>>, vector<16xf32>,
        %parallel_loop3A_264 = arith.constant 2 : i32
        %parallel_loop3A_265 = vector.broadcast %parallel_loop3A_264 : i32 to vector<16xi32>
        %parallel_loop3A_266 = tpu.vector_load_idx %arg6[%parallel_loop3A_265, %parallel_loop3A_241] : memref<4x2080xf32, #tpu.memory_space<vmem>>[vector<16xi32>, vector<16xi32>], vector<16xf32>,
        %parallel_loop3A_267 = arith.constant 1.000000e+00 : f32
        %parallel_loop3A_268 = vector.broadcast %parallel_loop3A_267 : f32 to vector<16xf32>
        %parallel_loop3A_269 = arith.mulf %parallel_loop3A_266, %parallel_loop3A_268 : vector<16xf32>
        %parallel_loop3A_270 = arith.constant 2 : i32
        %parallel_loop3A_271 = arith.index_cast %parallel_loop3A_270 : i32 to index
        %parallel_loop3A_272 = arith.index_cast %parallel_loop3A_88 : i32 to index
        %parallel_loop3A_273 = arith.constant 48 : index
        %parallel_loop3A_274 = tpu.vector_load %arg8[%parallel_loop3A_271, %parallel_loop3A_272, %parallel_loop3A_273] {strides = array<i32>} : memref<4x64x64xf32, #tpu.memory_space<vmem>>, vector<16xf32>,
        tpu.vector_store %arg8[%parallel_loop3A_271, %parallel_loop3A_272, %parallel_loop3A_273], %parallel_loop3A_269 {strides = array<i32>} : memref<4x64x64xf32, #tpu.memory_space<vmem>>, vector<16xf32>,
        %parallel_loop3A_275 = arith.constant 3 : i32
        %parallel_loop3A_276 = vector.broadcast %parallel_loop3A_275 : i32 to vector<16xi32>
        %parallel_loop3A_277 = tpu.vector_load_idx %arg6[%parallel_loop3A_276, %parallel_loop3A_241] : memref<4x2080xf32, #tpu.memory_space<vmem>>[vector<16xi32>, vector<16xi32>], vector<16xf32>,
        %parallel_loop3A_278 = arith.constant 1.000000e+00 : f32
        %parallel_loop3A_279 = vector.broadcast %parallel_loop3A_278 : f32 to vector<16xf32>
        %parallel_loop3A_280 = arith.mulf %parallel_loop3A_277, %parallel_loop3A_279 : vector<16xf32>
        %parallel_loop3A_281 = arith.constant 3 : i32
        %parallel_loop3A_282 = arith.index_cast %parallel_loop3A_281 : i32 to index
        %parallel_loop3A_283 = arith.index_cast %parallel_loop3A_88 : i32 to index
        %parallel_loop3A_284 = arith.constant 48 : index
        %parallel_loop3A_285 = tpu.vector_load %arg8[%parallel_loop3A_282, %parallel_loop3A_283, %parallel_loop3A_284] {strides = array<i32>} : memref<4x64x64xf32, #tpu.memory_space<vmem>>, vector<16xf32>,
        tpu.vector_store %arg8[%parallel_loop3A_282, %parallel_loop3A_283, %parallel_loop3A_284], %parallel_loop3A_280 {strides = array<i32>} : memref<4x64x64xf32, #tpu.memory_space<vmem>>, vector<16xf32>,
      } {sc.loop_unroll_factor = 4 : i64, sc.parallel_access}
      %mul3A_48 = arith.constant 4 : i32
      %mul3A_49 = arith.muli %add3A_32, %mul3A_48 : i32
      %add3A_50 = arith.addi %mul3A_2, %mul3A_49 : i32
      %dma_start3A_51 = arith.constant 0 : i32
      %dma_start3A_52 = arith.constant 0 : i32
      %dma_start3A_53 = tpu.memref_slice %arg4[%add3A_50, %dma_start3A_51, %dma_start3A_52] : memref<4096x64x64xf32, #tpu.memory_space<hbm>> -> memref<4x64x64xf32, #tpu.memory_space<hbm>>
      %dma_start3A_54 = arith.constant 0 : i32
      %dma_start3A_55 = arith.constant 0 : i32
      %dma_start3A_56 = tpu.memref_slice %arg4[%add3A_50, %dma_start3A_54, %dma_start3A_55] : memref<4096x64x64xf32, #tpu.memory_space<hbm>> -> memref<4x64x64xf32, #tpu.memory_space<hbm>>
      tpu.enqueue_dma source(%arg8 : memref<4x64x64xf32, #tpu.memory_space<vmem>>) target(%dma_start3A_56 : memref<4x64x64xf32, #tpu.memory_space<hbm>>) target_semaphore(%arg12 : memref<!tpu.dma_semaphore, #tpu.memory_space<semaphore_mem>>)
      %add3A_57 = arith.constant 1 : i32
      %add3A_58 = arith.addi %mul3A_30, %add3A_57 : i32
      %mul3A_59 = arith.constant 4 : i32
      %mul3A_60 = arith.muli %add3A_58, %mul3A_59 : i32
      %add3A_61 = arith.addi %mul3A_2, %mul3A_60 : i32
      %dma_wait3A_62 = arith.constant 0 : i32
      %dma_wait3A_63 = tpu.memref_slice %arg2[%add3A_61, %dma_wait3A_62] : memref<4096x2080xf32, #tpu.memory_space<hbm>> -> memref<4x2080xf32, #tpu.memory_space<hbm>>
      %dma_wait3A_64 = arith.constant 0 : i32
      %dma_wait3A_65 = tpu.memref_slice %arg2[%add3A_61, %dma_wait3A_64] : memref<4096x2080xf32, #tpu.memory_space<hbm>> -> memref<4x2080xf32, #tpu.memory_space<hbm>>
      tpu.wait_dma2 semaphore(%arg11 : memref<!tpu.dma_semaphore, #tpu.memory_space<semaphore_mem>>) src(%dma_wait3A_65 : memref<4x2080xf32, #tpu.memory_space<hbm>>) dst(%arg7 : memref<4x2080xf32, #tpu.memory_space<vmem>>)
      %lt3A_66 = arith.constant 31 : i32
      %lt3A_67 = arith.cmpi slt, %add3A_58, %lt3A_66 : i32
      %convert_element_type3A_68 = arith.extui %lt3A_67 : i1 to i32
      %cond3A_69 = arith.constant 0 : i32
      %cond3A_70 = arith.cmpi ne, %convert_element_type3A_68, %cond3A_69 : i32
      scf.if %cond3A_70 {
        %add3A_88 = arith.constant 1 : i32
        %add3A_89 = arith.addi %add3A_58, %add3A_88 : i32
        %mul3A_90 = arith.constant 4 : i32
        %mul3A_91 = arith.muli %add3A_89, %mul3A_90 : i32
        %add3A_92 = arith.addi %mul3A_2, %mul3A_91 : i32
        %dma_start3A_93 = arith.constant 0 : i32
        %dma_start3A_94 = tpu.memref_slice %arg2[%add3A_92, %dma_start3A_93] : memref<4096x2080xf32, #tpu.memory_space<hbm>> -> memref<4x2080xf32, #tpu.memory_space<hbm>>
        %dma_start3A_95 = arith.constant 0 : i32
        %dma_start3A_96 = tpu.memref_slice %arg2[%add3A_92, %dma_start3A_95] : memref<4096x2080xf32, #tpu.memory_space<hbm>> -> memref<4x2080xf32, #tpu.memory_space<hbm>>
        tpu.enqueue_dma source(%dma_start3A_96 : memref<4x2080xf32, #tpu.memory_space<hbm>>) target(%arg6 : memref<4x2080xf32, #tpu.memory_space<vmem>>) target_semaphore(%arg10 : memref<!tpu.dma_semaphore, #tpu.memory_space<semaphore_mem>>)
      } else {
      }
      %ge3A_71 = arith.constant 2 : i32
      %ge3A_72 = arith.cmpi sge, %add3A_58, %ge3A_71 : i32
      %convert_element_type3A_73 = arith.extui %ge3A_72 : i1 to i32
      %cond3A_74 = arith.constant 0 : i32
      %cond3A_75 = arith.cmpi ne, %convert_element_type3A_73, %cond3A_74 : i32
      scf.if %cond3A_75 {
        %sub3A = arith.constant 2 : i32
        %sub3A_88 = arith.subi %add3A_58, %sub3A : i32
        %mul3A_89 = arith.constant 4 : i32
        %mul3A_90 = arith.muli %sub3A_88, %mul3A_89 : i32
        %add3A_91 = arith.addi %mul3A_2, %mul3A_90 : i32
        %dma_wait3A_92 = arith.constant 0 : i32
        %dma_wait3A_93 = arith.constant 0 : i32
        %dma_wait3A_94 = tpu.memref_slice %arg4[%add3A_91, %dma_wait3A_92, %dma_wait3A_93] : memref<4096x64x64xf32, #tpu.memory_space<hbm>> -> memref<4x64x64xf32, #tpu.memory_space<hbm>>
        %dma_wait3A_95 = arith.constant 0 : i32
        %dma_wait3A_96 = arith.constant 0 : i32
        %dma_wait3A_97 = tpu.memref_slice %arg4[%add3A_91, %dma_wait3A_95, %dma_wait3A_96] : memref<4096x64x64xf32, #tpu.memory_space<hbm>> -> memref<4x64x64xf32, #tpu.memory_space<hbm>>
        tpu.wait_dma2 semaphore(%arg13 : memref<!tpu.dma_semaphore, #tpu.memory_space<semaphore_mem>>) src(%arg9 : memref<4x64x64xf32, #tpu.memory_space<vmem>>) dst(%dma_wait3A_97 : memref<4x64x64xf32, #tpu.memory_space<hbm>>)
      } else {
      }
      %parallel_loop3A_76 = arith.constant 0 : i32
      %parallel_loop3A_77 = arith.constant 64 : i32
      %parallel_loop3A_78 = arith.constant 1 : i32
      scf.for %parallel_loop3A_88 = %parallel_loop3A_76 to %parallel_loop3A_77 step %parallel_loop3A_78  : i32 {
        %parallel_loop3A_89 = arith.constant 32 : i32
        %parallel_loop3A_90 = arith.cmpi sge, %parallel_loop3A_88, %parallel_loop3A_89 : i32
        %parallel_loop3A_91 = arith.constant 2.000000e+00 : f32
        %parallel_loop3A_92 = arith.constant 1.000000e+00 : f32
        %parallel_loop3A_93 = arith.select %parallel_loop3A_90, %parallel_loop3A_91, %parallel_loop3A_92 : f32
        %parallel_loop3A_94 = arith.constant 64 : i32
        %parallel_loop3A_95 = arith.muli %parallel_loop3A_88, %parallel_loop3A_94 : i32
        %parallel_loop3A_96 = arith.constant 0 : i32
        %parallel_loop3A_97 = arith.addi %parallel_loop3A_95, %parallel_loop3A_96 : i32
        %parallel_loop3A_98 = arith.index_cast %parallel_loop3A_97 : i32 to index
        %parallel_loop3A_99 = tpu.vector_load %arg5[%parallel_loop3A_98] {strides = array<i32>} : memref<4096xi32, #tpu.memory_space<vmem>>, vector<16xi32>,
        %parallel_loop3A_100 = arith.constant 0 : i32
        %parallel_loop3A_101 = vector.broadcast %parallel_loop3A_100 : i32 to vector<16xi32>
        %parallel_loop3A_102 = tpu.vector_load_idx %arg7[%parallel_loop3A_101, %parallel_loop3A_99] : memref<4x2080xf32, #tpu.memory_space<vmem>>[vector<16xi32>, vector<16xi32>], vector<16xf32>,
        %parallel_loop3A_103 = vector.broadcast %parallel_loop3A_93 : f32 to vector<16xf32>
        %parallel_loop3A_104 = arith.mulf %parallel_loop3A_102, %parallel_loop3A_103 : vector<16xf32>
        %parallel_loop3A_105 = arith.constant 0 : i32
        %parallel_loop3A_106 = arith.index_cast %parallel_loop3A_105 : i32 to index
        %parallel_loop3A_107 = arith.index_cast %parallel_loop3A_88 : i32 to index
        %parallel_loop3A_108 = arith.constant 0 : index
        %parallel_loop3A_109 = tpu.vector_load %arg9[%parallel_loop3A_106, %parallel_loop3A_107, %parallel_loop3A_108] {strides = array<i32>} : memref<4x64x64xf32, #tpu.memory_space<vmem>>, vector<16xf32>,
        tpu.vector_store %arg9[%parallel_loop3A_106, %parallel_loop3A_107, %parallel_loop3A_108], %parallel_loop3A_104 {strides = array<i32>} : memref<4x64x64xf32, #tpu.memory_space<vmem>>, vector<16xf32>,
        %parallel_loop3A_110 = arith.constant 1 : i32
        %parallel_loop3A_111 = vector.broadcast %parallel_loop3A_110 : i32 to vector<16xi32>
        %parallel_loop3A_112 = tpu.vector_load_idx %arg7[%parallel_loop3A_111, %parallel_loop3A_99] : memref<4x2080xf32, #tpu.memory_space<vmem>>[vector<16xi32>, vector<16xi32>], vector<16xf32>,
        %parallel_loop3A_113 = vector.broadcast %parallel_loop3A_93 : f32 to vector<16xf32>
        %parallel_loop3A_114 = arith.mulf %parallel_loop3A_112, %parallel_loop3A_113 : vector<16xf32>
        %parallel_loop3A_115 = arith.constant 1 : i32
        %parallel_loop3A_116 = arith.index_cast %parallel_loop3A_115 : i32 to index
        %parallel_loop3A_117 = arith.index_cast %parallel_loop3A_88 : i32 to index
        %parallel_loop3A_118 = arith.constant 0 : index
        %parallel_loop3A_119 = tpu.vector_load %arg9[%parallel_loop3A_116, %parallel_loop3A_117, %parallel_loop3A_118] {strides = array<i32>} : memref<4x64x64xf32, #tpu.memory_space<vmem>>, vector<16xf32>,
        tpu.vector_store %arg9[%parallel_loop3A_116, %parallel_loop3A_117, %parallel_loop3A_118], %parallel_loop3A_114 {strides = array<i32>} : memref<4x64x64xf32, #tpu.memory_space<vmem>>, vector<16xf32>,
        %parallel_loop3A_120 = arith.constant 2 : i32
        %parallel_loop3A_121 = vector.broadcast %parallel_loop3A_120 : i32 to vector<16xi32>
        %parallel_loop3A_122 = tpu.vector_load_idx %arg7[%parallel_loop3A_121, %parallel_loop3A_99] : memref<4x2080xf32, #tpu.memory_space<vmem>>[vector<16xi32>, vector<16xi32>], vector<16xf32>,
        %parallel_loop3A_123 = vector.broadcast %parallel_loop3A_93 : f32 to vector<16xf32>
        %parallel_loop3A_124 = arith.mulf %parallel_loop3A_122, %parallel_loop3A_123 : vector<16xf32>
        %parallel_loop3A_125 = arith.constant 2 : i32
        %parallel_loop3A_126 = arith.index_cast %parallel_loop3A_125 : i32 to index
        %parallel_loop3A_127 = arith.index_cast %parallel_loop3A_88 : i32 to index
        %parallel_loop3A_128 = arith.constant 0 : index
        %parallel_loop3A_129 = tpu.vector_load %arg9[%parallel_loop3A_126, %parallel_loop3A_127, %parallel_loop3A_128] {strides = array<i32>} : memref<4x64x64xf32, #tpu.memory_space<vmem>>, vector<16xf32>,
        tpu.vector_store %arg9[%parallel_loop3A_126, %parallel_loop3A_127, %parallel_loop3A_128], %parallel_loop3A_124 {strides = array<i32>} : memref<4x64x64xf32, #tpu.memory_space<vmem>>, vector<16xf32>,
        %parallel_loop3A_130 = arith.constant 3 : i32
        %parallel_loop3A_131 = vector.broadcast %parallel_loop3A_130 : i32 to vector<16xi32>
        %parallel_loop3A_132 = tpu.vector_load_idx %arg7[%parallel_loop3A_131, %parallel_loop3A_99] : memref<4x2080xf32, #tpu.memory_space<vmem>>[vector<16xi32>, vector<16xi32>], vector<16xf32>,
        %parallel_loop3A_133 = vector.broadcast %parallel_loop3A_93 : f32 to vector<16xf32>
        %parallel_loop3A_134 = arith.mulf %parallel_loop3A_132, %parallel_loop3A_133 : vector<16xf32>
        %parallel_loop3A_135 = arith.constant 3 : i32
        %parallel_loop3A_136 = arith.index_cast %parallel_loop3A_135 : i32 to index
        %parallel_loop3A_137 = arith.index_cast %parallel_loop3A_88 : i32 to index
        %parallel_loop3A_138 = arith.constant 0 : index
        %parallel_loop3A_139 = tpu.vector_load %arg9[%parallel_loop3A_136, %parallel_loop3A_137, %parallel_loop3A_138] {strides = array<i32>} : memref<4x64x64xf32, #tpu.memory_space<vmem>>, vector<16xf32>,
        tpu.vector_store %arg9[%parallel_loop3A_136, %parallel_loop3A_137, %parallel_loop3A_138], %parallel_loop3A_134 {strides = array<i32>} : memref<4x64x64xf32, #tpu.memory_space<vmem>>, vector<16xf32>,
        %parallel_loop3A_140 = arith.constant 64 : i32
        %parallel_loop3A_141 = arith.muli %parallel_loop3A_88, %parallel_loop3A_140 : i32
        %parallel_loop3A_142 = arith.constant 16 : i32
        %parallel_loop3A_143 = arith.addi %parallel_loop3A_141, %parallel_loop3A_142 : i32
        %parallel_loop3A_144 = arith.index_cast %parallel_loop3A_143 : i32 to index
        %parallel_loop3A_145 = tpu.vector_load %arg5[%parallel_loop3A_144] {strides = array<i32>} : memref<4096xi32, #tpu.memory_space<vmem>>, vector<16xi32>,
        %parallel_loop3A_146 = arith.constant 0 : i32
        %parallel_loop3A_147 = vector.broadcast %parallel_loop3A_146 : i32 to vector<16xi32>
        %parallel_loop3A_148 = tpu.vector_load_idx %arg7[%parallel_loop3A_147, %parallel_loop3A_145] : memref<4x2080xf32, #tpu.memory_space<vmem>>[vector<16xi32>, vector<16xi32>], vector<16xf32>,
        %parallel_loop3A_149 = vector.broadcast %parallel_loop3A_93 : f32 to vector<16xf32>
        %parallel_loop3A_150 = arith.mulf %parallel_loop3A_148, %parallel_loop3A_149 : vector<16xf32>
        %parallel_loop3A_151 = arith.constant 0 : i32
        %parallel_loop3A_152 = arith.index_cast %parallel_loop3A_151 : i32 to index
        %parallel_loop3A_153 = arith.index_cast %parallel_loop3A_88 : i32 to index
        %parallel_loop3A_154 = arith.constant 16 : index
        %parallel_loop3A_155 = tpu.vector_load %arg9[%parallel_loop3A_152, %parallel_loop3A_153, %parallel_loop3A_154] {strides = array<i32>} : memref<4x64x64xf32, #tpu.memory_space<vmem>>, vector<16xf32>,
        tpu.vector_store %arg9[%parallel_loop3A_152, %parallel_loop3A_153, %parallel_loop3A_154], %parallel_loop3A_150 {strides = array<i32>} : memref<4x64x64xf32, #tpu.memory_space<vmem>>, vector<16xf32>,
        %parallel_loop3A_156 = arith.constant 1 : i32
        %parallel_loop3A_157 = vector.broadcast %parallel_loop3A_156 : i32 to vector<16xi32>
        %parallel_loop3A_158 = tpu.vector_load_idx %arg7[%parallel_loop3A_157, %parallel_loop3A_145] : memref<4x2080xf32, #tpu.memory_space<vmem>>[vector<16xi32>, vector<16xi32>], vector<16xf32>,
        %parallel_loop3A_159 = vector.broadcast %parallel_loop3A_93 : f32 to vector<16xf32>
        %parallel_loop3A_160 = arith.mulf %parallel_loop3A_158, %parallel_loop3A_159 : vector<16xf32>
        %parallel_loop3A_161 = arith.constant 1 : i32
        %parallel_loop3A_162 = arith.index_cast %parallel_loop3A_161 : i32 to index
        %parallel_loop3A_163 = arith.index_cast %parallel_loop3A_88 : i32 to index
        %parallel_loop3A_164 = arith.constant 16 : index
        %parallel_loop3A_165 = tpu.vector_load %arg9[%parallel_loop3A_162, %parallel_loop3A_163, %parallel_loop3A_164] {strides = array<i32>} : memref<4x64x64xf32, #tpu.memory_space<vmem>>, vector<16xf32>,
        tpu.vector_store %arg9[%parallel_loop3A_162, %parallel_loop3A_163, %parallel_loop3A_164], %parallel_loop3A_160 {strides = array<i32>} : memref<4x64x64xf32, #tpu.memory_space<vmem>>, vector<16xf32>,
        %parallel_loop3A_166 = arith.constant 2 : i32
        %parallel_loop3A_167 = vector.broadcast %parallel_loop3A_166 : i32 to vector<16xi32>
        %parallel_loop3A_168 = tpu.vector_load_idx %arg7[%parallel_loop3A_167, %parallel_loop3A_145] : memref<4x2080xf32, #tpu.memory_space<vmem>>[vector<16xi32>, vector<16xi32>], vector<16xf32>,
        %parallel_loop3A_169 = vector.broadcast %parallel_loop3A_93 : f32 to vector<16xf32>
        %parallel_loop3A_170 = arith.mulf %parallel_loop3A_168, %parallel_loop3A_169 : vector<16xf32>
        %parallel_loop3A_171 = arith.constant 2 : i32
        %parallel_loop3A_172 = arith.index_cast %parallel_loop3A_171 : i32 to index
        %parallel_loop3A_173 = arith.index_cast %parallel_loop3A_88 : i32 to index
        %parallel_loop3A_174 = arith.constant 16 : index
        %parallel_loop3A_175 = tpu.vector_load %arg9[%parallel_loop3A_172, %parallel_loop3A_173, %parallel_loop3A_174] {strides = array<i32>} : memref<4x64x64xf32, #tpu.memory_space<vmem>>, vector<16xf32>,
        tpu.vector_store %arg9[%parallel_loop3A_172, %parallel_loop3A_173, %parallel_loop3A_174], %parallel_loop3A_170 {strides = array<i32>} : memref<4x64x64xf32, #tpu.memory_space<vmem>>, vector<16xf32>,
        %parallel_loop3A_176 = arith.constant 3 : i32
        %parallel_loop3A_177 = vector.broadcast %parallel_loop3A_176 : i32 to vector<16xi32>
        %parallel_loop3A_178 = tpu.vector_load_idx %arg7[%parallel_loop3A_177, %parallel_loop3A_145] : memref<4x2080xf32, #tpu.memory_space<vmem>>[vector<16xi32>, vector<16xi32>], vector<16xf32>,
        %parallel_loop3A_179 = vector.broadcast %parallel_loop3A_93 : f32 to vector<16xf32>
        %parallel_loop3A_180 = arith.mulf %parallel_loop3A_178, %parallel_loop3A_179 : vector<16xf32>
        %parallel_loop3A_181 = arith.constant 3 : i32
        %parallel_loop3A_182 = arith.index_cast %parallel_loop3A_181 : i32 to index
        %parallel_loop3A_183 = arith.index_cast %parallel_loop3A_88 : i32 to index
        %parallel_loop3A_184 = arith.constant 16 : index
        %parallel_loop3A_185 = tpu.vector_load %arg9[%parallel_loop3A_182, %parallel_loop3A_183, %parallel_loop3A_184] {strides = array<i32>} : memref<4x64x64xf32, #tpu.memory_space<vmem>>, vector<16xf32>,
        tpu.vector_store %arg9[%parallel_loop3A_182, %parallel_loop3A_183, %parallel_loop3A_184], %parallel_loop3A_180 {strides = array<i32>} : memref<4x64x64xf32, #tpu.memory_space<vmem>>, vector<16xf32>,
        %parallel_loop3A_186 = arith.constant 64 : i32
        %parallel_loop3A_187 = arith.muli %parallel_loop3A_88, %parallel_loop3A_186 : i32
        %parallel_loop3A_188 = arith.constant 32 : i32
        %parallel_loop3A_189 = arith.addi %parallel_loop3A_187, %parallel_loop3A_188 : i32
        %parallel_loop3A_190 = arith.index_cast %parallel_loop3A_189 : i32 to index
        %parallel_loop3A_191 = tpu.vector_load %arg5[%parallel_loop3A_190] {strides = array<i32>} : memref<4096xi32, #tpu.memory_space<vmem>>, vector<16xi32>,
        %parallel_loop3A_192 = arith.constant 0 : i32
        %parallel_loop3A_193 = vector.broadcast %parallel_loop3A_192 : i32 to vector<16xi32>
        %parallel_loop3A_194 = tpu.vector_load_idx %arg7[%parallel_loop3A_193, %parallel_loop3A_191] : memref<4x2080xf32, #tpu.memory_space<vmem>>[vector<16xi32>, vector<16xi32>], vector<16xf32>,
        %parallel_loop3A_195 = arith.constant 1.000000e+00 : f32
        %parallel_loop3A_196 = vector.broadcast %parallel_loop3A_195 : f32 to vector<16xf32>
        %parallel_loop3A_197 = arith.mulf %parallel_loop3A_194, %parallel_loop3A_196 : vector<16xf32>
        %parallel_loop3A_198 = arith.constant 0 : i32
        %parallel_loop3A_199 = arith.index_cast %parallel_loop3A_198 : i32 to index
        %parallel_loop3A_200 = arith.index_cast %parallel_loop3A_88 : i32 to index
        %parallel_loop3A_201 = arith.constant 32 : index
        %parallel_loop3A_202 = tpu.vector_load %arg9[%parallel_loop3A_199, %parallel_loop3A_200, %parallel_loop3A_201] {strides = array<i32>} : memref<4x64x64xf32, #tpu.memory_space<vmem>>, vector<16xf32>,
        tpu.vector_store %arg9[%parallel_loop3A_199, %parallel_loop3A_200, %parallel_loop3A_201], %parallel_loop3A_197 {strides = array<i32>} : memref<4x64x64xf32, #tpu.memory_space<vmem>>, vector<16xf32>,
        %parallel_loop3A_203 = arith.constant 1 : i32
        %parallel_loop3A_204 = vector.broadcast %parallel_loop3A_203 : i32 to vector<16xi32>
        %parallel_loop3A_205 = tpu.vector_load_idx %arg7[%parallel_loop3A_204, %parallel_loop3A_191] : memref<4x2080xf32, #tpu.memory_space<vmem>>[vector<16xi32>, vector<16xi32>], vector<16xf32>,
        %parallel_loop3A_206 = arith.constant 1.000000e+00 : f32
        %parallel_loop3A_207 = vector.broadcast %parallel_loop3A_206 : f32 to vector<16xf32>
        %parallel_loop3A_208 = arith.mulf %parallel_loop3A_205, %parallel_loop3A_207 : vector<16xf32>
        %parallel_loop3A_209 = arith.constant 1 : i32
        %parallel_loop3A_210 = arith.index_cast %parallel_loop3A_209 : i32 to index
        %parallel_loop3A_211 = arith.index_cast %parallel_loop3A_88 : i32 to index
        %parallel_loop3A_212 = arith.constant 32 : index
        %parallel_loop3A_213 = tpu.vector_load %arg9[%parallel_loop3A_210, %parallel_loop3A_211, %parallel_loop3A_212] {strides = array<i32>} : memref<4x64x64xf32, #tpu.memory_space<vmem>>, vector<16xf32>,
        tpu.vector_store %arg9[%parallel_loop3A_210, %parallel_loop3A_211, %parallel_loop3A_212], %parallel_loop3A_208 {strides = array<i32>} : memref<4x64x64xf32, #tpu.memory_space<vmem>>, vector<16xf32>,
        %parallel_loop3A_214 = arith.constant 2 : i32
        %parallel_loop3A_215 = vector.broadcast %parallel_loop3A_214 : i32 to vector<16xi32>
        %parallel_loop3A_216 = tpu.vector_load_idx %arg7[%parallel_loop3A_215, %parallel_loop3A_191] : memref<4x2080xf32, #tpu.memory_space<vmem>>[vector<16xi32>, vector<16xi32>], vector<16xf32>,
        %parallel_loop3A_217 = arith.constant 1.000000e+00 : f32
        %parallel_loop3A_218 = vector.broadcast %parallel_loop3A_217 : f32 to vector<16xf32>
        %parallel_loop3A_219 = arith.mulf %parallel_loop3A_216, %parallel_loop3A_218 : vector<16xf32>
        %parallel_loop3A_220 = arith.constant 2 : i32
        %parallel_loop3A_221 = arith.index_cast %parallel_loop3A_220 : i32 to index
        %parallel_loop3A_222 = arith.index_cast %parallel_loop3A_88 : i32 to index
        %parallel_loop3A_223 = arith.constant 32 : index
        %parallel_loop3A_224 = tpu.vector_load %arg9[%parallel_loop3A_221, %parallel_loop3A_222, %parallel_loop3A_223] {strides = array<i32>} : memref<4x64x64xf32, #tpu.memory_space<vmem>>, vector<16xf32>,
        tpu.vector_store %arg9[%parallel_loop3A_221, %parallel_loop3A_222, %parallel_loop3A_223], %parallel_loop3A_219 {strides = array<i32>} : memref<4x64x64xf32, #tpu.memory_space<vmem>>, vector<16xf32>,
        %parallel_loop3A_225 = arith.constant 3 : i32
        %parallel_loop3A_226 = vector.broadcast %parallel_loop3A_225 : i32 to vector<16xi32>
        %parallel_loop3A_227 = tpu.vector_load_idx %arg7[%parallel_loop3A_226, %parallel_loop3A_191] : memref<4x2080xf32, #tpu.memory_space<vmem>>[vector<16xi32>, vector<16xi32>], vector<16xf32>,
        %parallel_loop3A_228 = arith.constant 1.000000e+00 : f32
        %parallel_loop3A_229 = vector.broadcast %parallel_loop3A_228 : f32 to vector<16xf32>
        %parallel_loop3A_230 = arith.mulf %parallel_loop3A_227, %parallel_loop3A_229 : vector<16xf32>
        %parallel_loop3A_231 = arith.constant 3 : i32
        %parallel_loop3A_232 = arith.index_cast %parallel_loop3A_231 : i32 to index
        %parallel_loop3A_233 = arith.index_cast %parallel_loop3A_88 : i32 to index
        %parallel_loop3A_234 = arith.constant 32 : index
        %parallel_loop3A_235 = tpu.vector_load %arg9[%parallel_loop3A_232, %parallel_loop3A_233, %parallel_loop3A_234] {strides = array<i32>} : memref<4x64x64xf32, #tpu.memory_space<vmem>>, vector<16xf32>,
        tpu.vector_store %arg9[%parallel_loop3A_232, %parallel_loop3A_233, %parallel_loop3A_234], %parallel_loop3A_230 {strides = array<i32>} : memref<4x64x64xf32, #tpu.memory_space<vmem>>, vector<16xf32>,
        %parallel_loop3A_236 = arith.constant 64 : i32
        %parallel_loop3A_237 = arith.muli %parallel_loop3A_88, %parallel_loop3A_236 : i32
        %parallel_loop3A_238 = arith.constant 48 : i32
        %parallel_loop3A_239 = arith.addi %parallel_loop3A_237, %parallel_loop3A_238 : i32
        %parallel_loop3A_240 = arith.index_cast %parallel_loop3A_239 : i32 to index
        %parallel_loop3A_241 = tpu.vector_load %arg5[%parallel_loop3A_240] {strides = array<i32>} : memref<4096xi32, #tpu.memory_space<vmem>>, vector<16xi32>,
        %parallel_loop3A_242 = arith.constant 0 : i32
        %parallel_loop3A_243 = vector.broadcast %parallel_loop3A_242 : i32 to vector<16xi32>
        %parallel_loop3A_244 = tpu.vector_load_idx %arg7[%parallel_loop3A_243, %parallel_loop3A_241] : memref<4x2080xf32, #tpu.memory_space<vmem>>[vector<16xi32>, vector<16xi32>], vector<16xf32>,
        %parallel_loop3A_245 = arith.constant 1.000000e+00 : f32
        %parallel_loop3A_246 = vector.broadcast %parallel_loop3A_245 : f32 to vector<16xf32>
        %parallel_loop3A_247 = arith.mulf %parallel_loop3A_244, %parallel_loop3A_246 : vector<16xf32>
        %parallel_loop3A_248 = arith.constant 0 : i32
        %parallel_loop3A_249 = arith.index_cast %parallel_loop3A_248 : i32 to index
        %parallel_loop3A_250 = arith.index_cast %parallel_loop3A_88 : i32 to index
        %parallel_loop3A_251 = arith.constant 48 : index
        %parallel_loop3A_252 = tpu.vector_load %arg9[%parallel_loop3A_249, %parallel_loop3A_250, %parallel_loop3A_251] {strides = array<i32>} : memref<4x64x64xf32, #tpu.memory_space<vmem>>, vector<16xf32>,
        tpu.vector_store %arg9[%parallel_loop3A_249, %parallel_loop3A_250, %parallel_loop3A_251], %parallel_loop3A_247 {strides = array<i32>} : memref<4x64x64xf32, #tpu.memory_space<vmem>>, vector<16xf32>,
        %parallel_loop3A_253 = arith.constant 1 : i32
        %parallel_loop3A_254 = vector.broadcast %parallel_loop3A_253 : i32 to vector<16xi32>
        %parallel_loop3A_255 = tpu.vector_load_idx %arg7[%parallel_loop3A_254, %parallel_loop3A_241] : memref<4x2080xf32, #tpu.memory_space<vmem>>[vector<16xi32>, vector<16xi32>], vector<16xf32>,
        %parallel_loop3A_256 = arith.constant 1.000000e+00 : f32
        %parallel_loop3A_257 = vector.broadcast %parallel_loop3A_256 : f32 to vector<16xf32>
        %parallel_loop3A_258 = arith.mulf %parallel_loop3A_255, %parallel_loop3A_257 : vector<16xf32>
        %parallel_loop3A_259 = arith.constant 1 : i32
        %parallel_loop3A_260 = arith.index_cast %parallel_loop3A_259 : i32 to index
        %parallel_loop3A_261 = arith.index_cast %parallel_loop3A_88 : i32 to index
        %parallel_loop3A_262 = arith.constant 48 : index
        %parallel_loop3A_263 = tpu.vector_load %arg9[%parallel_loop3A_260, %parallel_loop3A_261, %parallel_loop3A_262] {strides = array<i32>} : memref<4x64x64xf32, #tpu.memory_space<vmem>>, vector<16xf32>,
        tpu.vector_store %arg9[%parallel_loop3A_260, %parallel_loop3A_261, %parallel_loop3A_262], %parallel_loop3A_258 {strides = array<i32>} : memref<4x64x64xf32, #tpu.memory_space<vmem>>, vector<16xf32>,
        %parallel_loop3A_264 = arith.constant 2 : i32
        %parallel_loop3A_265 = vector.broadcast %parallel_loop3A_264 : i32 to vector<16xi32>
        %parallel_loop3A_266 = tpu.vector_load_idx %arg7[%parallel_loop3A_265, %parallel_loop3A_241] : memref<4x2080xf32, #tpu.memory_space<vmem>>[vector<16xi32>, vector<16xi32>], vector<16xf32>,
        %parallel_loop3A_267 = arith.constant 1.000000e+00 : f32
        %parallel_loop3A_268 = vector.broadcast %parallel_loop3A_267 : f32 to vector<16xf32>
        %parallel_loop3A_269 = arith.mulf %parallel_loop3A_266, %parallel_loop3A_268 : vector<16xf32>
        %parallel_loop3A_270 = arith.constant 2 : i32
        %parallel_loop3A_271 = arith.index_cast %parallel_loop3A_270 : i32 to index
        %parallel_loop3A_272 = arith.index_cast %parallel_loop3A_88 : i32 to index
        %parallel_loop3A_273 = arith.constant 48 : index
        %parallel_loop3A_274 = tpu.vector_load %arg9[%parallel_loop3A_271, %parallel_loop3A_272, %parallel_loop3A_273] {strides = array<i32>} : memref<4x64x64xf32, #tpu.memory_space<vmem>>, vector<16xf32>,
        tpu.vector_store %arg9[%parallel_loop3A_271, %parallel_loop3A_272, %parallel_loop3A_273], %parallel_loop3A_269 {strides = array<i32>} : memref<4x64x64xf32, #tpu.memory_space<vmem>>, vector<16xf32>,
        %parallel_loop3A_275 = arith.constant 3 : i32
        %parallel_loop3A_276 = vector.broadcast %parallel_loop3A_275 : i32 to vector<16xi32>
        %parallel_loop3A_277 = tpu.vector_load_idx %arg7[%parallel_loop3A_276, %parallel_loop3A_241] : memref<4x2080xf32, #tpu.memory_space<vmem>>[vector<16xi32>, vector<16xi32>], vector<16xf32>,
        %parallel_loop3A_278 = arith.constant 1.000000e+00 : f32
        %parallel_loop3A_279 = vector.broadcast %parallel_loop3A_278 : f32 to vector<16xf32>
        %parallel_loop3A_280 = arith.mulf %parallel_loop3A_277, %parallel_loop3A_279 : vector<16xf32>
        %parallel_loop3A_281 = arith.constant 3 : i32
        %parallel_loop3A_282 = arith.index_cast %parallel_loop3A_281 : i32 to index
        %parallel_loop3A_283 = arith.index_cast %parallel_loop3A_88 : i32 to index
        %parallel_loop3A_284 = arith.constant 48 : index
        %parallel_loop3A_285 = tpu.vector_load %arg9[%parallel_loop3A_282, %parallel_loop3A_283, %parallel_loop3A_284] {strides = array<i32>} : memref<4x64x64xf32, #tpu.memory_space<vmem>>, vector<16xf32>,
        tpu.vector_store %arg9[%parallel_loop3A_282, %parallel_loop3A_283, %parallel_loop3A_284], %parallel_loop3A_280 {strides = array<i32>} : memref<4x64x64xf32, #tpu.memory_space<vmem>>, vector<16xf32>,
      } {sc.loop_unroll_factor = 4 : i64, sc.parallel_access}
      %mul3A_79 = arith.constant 4 : i32
      %mul3A_80 = arith.muli %add3A_58, %mul3A_79 : i32
      %add3A_81 = arith.addi %mul3A_2, %mul3A_80 : i32
      %dma_start3A_82 = arith.constant 0 : i32
      %dma_start3A_83 = arith.constant 0 : i32
      %dma_start3A_84 = tpu.memref_slice %arg4[%add3A_81, %dma_start3A_82, %dma_start3A_83] : memref<4096x64x64xf32, #tpu.memory_space<hbm>> -> memref<4x64x64xf32, #tpu.memory_space<hbm>>
      %dma_start3A_85 = arith.constant 0 : i32
      %dma_start3A_86 = arith.constant 0 : i32
      %dma_start3A_87 = tpu.memref_slice %arg4[%add3A_81, %dma_start3A_85, %dma_start3A_86] : memref<4096x64x64xf32, #tpu.memory_space<hbm>> -> memref<4x64x64xf32, #tpu.memory_space<hbm>>
      tpu.enqueue_dma source(%arg9 : memref<4x64x64xf32, #tpu.memory_space<vmem>>) target(%dma_start3A_87 : memref<4x64x64xf32, #tpu.memory_space<hbm>>) target_semaphore(%arg13 : memref<!tpu.dma_semaphore, #tpu.memory_space<semaphore_mem>>)
    }
    %scan3A_12 = arith.constant 16 : i32
    %add3A_13 = arith.constant 120 : i32
    %add3A_14 = arith.addi %mul3A_2, %add3A_13 : i32
    %dma_wait3A = arith.constant 0 : i32
    %dma_wait3A_15 = arith.constant 0 : i32
    %dma_wait3A_16 = tpu.memref_slice %arg4[%add3A_14, %dma_wait3A, %dma_wait3A_15] : memref<4096x64x64xf32, #tpu.memory_space<hbm>> -> memref<4x64x64xf32, #tpu.memory_space<hbm>>
    %dma_wait3A_17 = arith.constant 0 : i32
    %dma_wait3A_18 = arith.constant 0 : i32
    %dma_wait3A_19 = tpu.memref_slice %arg4[%add3A_14, %dma_wait3A_17, %dma_wait3A_18] : memref<4096x64x64xf32, #tpu.memory_space<hbm>> -> memref<4x64x64xf32, #tpu.memory_space<hbm>>
    tpu.wait_dma2 semaphore(%arg12 : memref<!tpu.dma_semaphore, #tpu.memory_space<semaphore_mem>>) src(%arg8 : memref<4x64x64xf32, #tpu.memory_space<vmem>>) dst(%dma_wait3A_19 : memref<4x64x64xf32, #tpu.memory_space<hbm>>)
    %add3A_20 = arith.constant 124 : i32
    %add3A_21 = arith.addi %mul3A_2, %add3A_20 : i32
    %dma_wait3A_22 = arith.constant 0 : i32
    %dma_wait3A_23 = arith.constant 0 : i32
    %dma_wait3A_24 = tpu.memref_slice %arg4[%add3A_21, %dma_wait3A_22, %dma_wait3A_23] : memref<4096x64x64xf32, #tpu.memory_space<hbm>> -> memref<4x64x64xf32, #tpu.memory_space<hbm>>
    %dma_wait3A_25 = arith.constant 0 : i32
    %dma_wait3A_26 = arith.constant 0 : i32
    %dma_wait3A_27 = tpu.memref_slice %arg4[%add3A_21, %dma_wait3A_25, %dma_wait3A_26] : memref<4096x64x64xf32, #tpu.memory_space<hbm>> -> memref<4x64x64xf32, #tpu.memory_space<hbm>>
    tpu.wait_dma2 semaphore(%arg13 : memref<!tpu.dma_semaphore, #tpu.memory_space<semaphore_mem>>) src(%arg9 : memref<4x64x64xf32, #tpu.memory_space<vmem>>) dst(%dma_wait3A_27 : memref<4x64x64xf32, #tpu.memory_space<hbm>>)
    return
  }
}

</mosaic_0001>

<sc_bundles>
// kernel: kernel.3.cloned.1.call-start
scs
__scs_entry_jumppad:
0x0: {  	(pc) =	sbr.rel $0x88, $3  }
0x1: {  	(tag) =	ssettag $0x0;
	lr =	simm.s32 $0x1  }
0x2: {  	[smem:$0x3FA0] =	sst lr;
	_ =	strace $0xD0000000  }
0x3: {  	_ = 	snop  }
0x4: {  	_ = 	snop  }
0x5: {  	_ = 	snop  }
0x6: {  	_ = 	snop  }
0x7: {  	_ = 	snop  }
__scs_overlays_trampoline_lowered:
0x8: {  	[smem:$0x3FAF] =	sst s0  }
0x9: {  	[smem:$0x3FB0] =	sst s1  }
0xa: {  	[smem:$0x3FB1] =	sst s2  }
0xb: {  	[smem:$0x3FB2] =	sst s3  }
0xc: {  	[smem:$0x3FB3] =	sst s4  }
0xd: {  	[smem:$0x3FB4] =	sst s5  }
0xe: {  	[smem:$0x3FB5] =	sst s6  }
0xf: {  	[smem:$0x3FB6] =	sst s7  }
0x10: {  	[smem:$0x3FB7] =	sst s8  }
0x11: {  	[smem:$0x3FB8] =	sst s9;
	s0 =	simm.s32 @!p0 $0x0  }
0x12: {  	s1 =	sld [smem:$0x3F9E];
	s0 =	simm.s32 @p0 $0x1  }
0x13: {  	[smem:$0x3FB9] =	sst s0;
	s0 =	simm.s32 @!p1 $0x0  }
0x14: {  	s2 =	sld [smem:$0x3F9D];
	s0 =	simm.s32 @p1 $0x1  }
0x15: {  	[smem:$0x3FBA] =	sst s0;
	s0 =	simm.s32 @!p2 $0x0  }
0x16: {  	s3 =	sld [smem:$0x3FDB];
	s0 =	simm.s32 @p2 $0x1  }
0x17: {  	s4 =	simm.s32 $0x1BF5;
	[smem:$0x3FBC] =	sst s0  }
0x18: {  	s0 =	sld [smem:$0x3F9F];
	_ =	swait.ge [sflag:s4], $0x0  }
0x19: {  	s7 =	sld [smem:$0x3FA0]  }
0x1a: {  	s8 =	sadd.s32 $0xFFFFE003, lr  }
0x1b: {  	s9 =	sadd.s32 $0xFFFFFEF7, lr;
	s5 =	simm.s32 $0xFFFFFFFF;
	p2 =	slt.u32 s8, $0xFFFFF086  }
0x1c: {  	p1 =	slt.u32 s9, $0xF7A;
	s5 =	simm.s32 @!p2 $0x0  }
0x1d: {  	s5 =	simm.s32 @p1 $0x1;
	p0 =	seq.s32 s7, s2  }
0x1e: {  	s7 =	smul.u32 @!p0 $0xF7A, s2;
	p2 =	seq.s32 @!p0 s5, $0x0  }
0x1f: {  	s9 =	smul.u32 $0xF7A, s1;
	s8 =	simm.s32 @!p0 $0x1BF5;
	p2 =	por !p2, p0  }
0x20: {  	[sflag:s8] =	ssyncset.s32 @!p0 $0xFFFFF086;
	s6 =	sadd.s32 @!p0 s3, s7;
	s7 =	simm.s32 @!p0 $0x108  }
0x21: {  	s3 =	sadd.s32 s3, s9;
	s6 =	sadd.s32 @!p0 $0x88, s6;
	s7 =	simm.s32 @p2 $0x1082  }
0x22: {  	[simem:s7], [sflag:s8] =	dma.local @!p0 [hbm:s6], $0xF7A  }
0x23: {  	s9 =	sor.u32 $0xD0000000, s2;
	s6 =	simm.s32 $0x108;
	_ =	swait.ge @!p0 [sflag:s8], $0x0  }
0x24: {  	s3 =	sadd.s32 $0x88, s3;
	s6 =	simm.s32 @!p1 $0x1082;
	[sflag:s4] =	ssyncset.s32 $0xFFFFF086  }
0x25: {  	[simem:s6], [sflag:s4] =	dma.local [hbm:s3], $0xF7A  }
0x26: {  	[smem:$0x3FA0] =	sst s1;
	(tag) =	ssettag s2;
	_ =	strace s9  }
0x27: {  	s1 =	sld [smem:$0x3FB0]  }
0x28: {  	s2 =	sld [smem:$0x3FB1]  }
0x29: {  	s4 =	sld [smem:$0x3FB3]  }
0x2a: {  	p0 =	seq.s32 s5, $0x0;
	s5 =	sld [smem:$0x3FB4]  }
0x2b: {  	s6 =	sld [smem:$0x3FB5]  }
0x2c: {  	s7 =	sld [smem:$0x3FB6]  }
0x2d: {  	s3 =	simm.s32 $0x108;
	s8 =	sld [smem:$0x3FB7]  }
0x2e: {  	s3 =	simm.s32 @!p0 $0x1082;
	s9 =	sld [smem:$0x3FB8]  }
0x2f: {  	lr =	sadd.s32 s0, s3;
	s0 =	sld [smem:$0x3FAF]  }
0x30: {  	s3 =	sld [smem:$0x3FB2]  }
0x31: {  	[smem:$0x3FBB] =	sst s10  }
0x32: {  	s10 =	sld [smem:$0x3FB9];
	_ =	sdelay $0x3  }
0x33: {  	p0 =	seq.s32 s10, $0x1;
	s10 =	sld [smem:$0x3FBB];
	_ =	sdelay $0x3  }
0x34: {  	[smem:$0x3FBB] =	sst s10  }
0x35: {  	s10 =	sld [smem:$0x3FBA];
	_ =	sdelay $0x3  }
0x36: {  	p1 =	seq.s32 s10, $0x1;
	s10 =	sld [smem:$0x3FBB];
	_ =	sdelay $0x3  }
0x37: {  	[smem:$0x3FBB] =	sst s10  }
0x38: {  	s10 =	sld [smem:$0x3FBC]  }
0x39: {  	_ = 	snop;
	(pc) =	sbr.ind lr, $3  }
0x3a: {  	_ = 	snop  }
0x3b: {  	_ = 	snop  }
0x3c: {  	p2 =	seq.s32 s10, $0x1;
	s10 =	sld [smem:$0x3FBB]  }
0x3d: {  	_ =	shalt  }
0x3e: {  	_ =	shalt  }
0x3f: {  	_ =	shalt  }
0x40: {  	_ =	shalt  }
0x41: {  	_ =	shalt  }
0x42: {  	_ =	shalt  }
0x43: {  	_ =	shalt  }
0x44: {  	_ =	shalt  }
0x45: {  	_ =	shalt  }
0x46: {  	_ =	shalt  }
0x47: {  	_ =	shalt  }
0x48: {  	_ =	shalt  }
0x49: {  	_ =	shalt  }
0x4a: {  	_ =	shalt  }
0x4b: {  	_ =	shalt  }
0x4c: {  	_ =	shalt  }
0x4d: {  	_ =	shalt  }
0x4e: {  	_ =	shalt  }
0x4f: {  	_ =	shalt  }
0x50: {  	_ =	shalt  }
0x51: {  	_ =	shalt  }
0x52: {  	_ =	shalt  }
0x53: {  	_ =	shalt  }
0x54: {  	_ =	shalt  }
0x55: {  	_ =	shalt  }
0x56: {  	_ =	shalt  }
0x57: {  	_ =	shalt  }
0x58: {  	_ =	shalt  }
0x59: {  	_ =	shalt  }
0x5a: {  	_ =	shalt  }
0x5b: {  	_ =	shalt  }
0x5c: {  	_ =	shalt  }
0x5d: {  	_ =	shalt  }
0x5e: {  	_ =	shalt  }
0x5f: {  	_ =	shalt  }
0x60: {  	_ =	shalt  }
0x61: {  	_ =	shalt  }
0x62: {  	_ =	shalt  }
0x63: {  	_ =	shalt  }
0x64: {  	_ =	shalt  }
0x65: {  	_ =	shalt  }
0x66: {  	_ =	shalt  }
0x67: {  	_ =	shalt  }
0x68: {  	_ =	shalt  }
0x69: {  	_ =	shalt  }
0x6a: {  	_ =	shalt  }
0x6b: {  	_ =	shalt  }
0x6c: {  	_ =	shalt  }
0x6d: {  	_ =	shalt  }
0x6e: {  	_ =	shalt  }
0x6f: {  	_ =	shalt  }
0x70: {  	_ =	shalt  }
0x71: {  	_ =	shalt  }
0x72: {  	_ =	shalt  }
0x73: {  	_ =	shalt  }
0x74: {  	_ =	shalt  }
0x75: {  	_ =	shalt  }
0x76: {  	_ =	shalt  }
0x77: {  	_ =	shalt  }
0x78: {  	_ =	shalt  }
0x79: {  	_ =	shalt  }
0x7a: {  	_ =	shalt  }
0x7b: {  	_ =	shalt  }
0x7c: {  	_ =	shalt  }
0x7d: {  	_ =	shalt  }
0x7e: {  	_ =	shalt  }
0x7f: {  	_ =	shalt  }
0x80: {  	_ =	shalt  }
0x81: {  	_ =	shalt  }
0x82: {  	_ =	shalt  }
0x83: {  	_ =	shalt  }
0x84: {  	_ =	shalt  }
0x85: {  	_ =	shalt  }
0x86: {  	_ =	shalt  }
0x87: {  	_ =	shalt  }
.Lfunc_end0:
.L_simem_size_0:
called_computation_lowered:
.L_overlay_start_0:
0x88: {  	s2 =	sld [smem:$0x3FD9]  }
0x89: {  	s3 =	sld [smem:$0x3FFE];
	_ =	sdelay $0x1  }
0x8a: {  	s1 =	srdreg.scid  }
0x8b: {  	s0 =	sand.u32 $0x1, s1  }
0x8c: {  	s17 =	sshll.u32 s0, $0xA;
	s2 =	sadd.s32 s3, s2  }
0x8d: {  	s2 =	sadd.s32 s2, s17  }
0x8e: {  	[smem:$0x3FC7] =	sst s2  }
0x8f: {  	_ = 	snop  }
0x90: {  	s2 =	sld [smem:$0x3FD0];
	(tm) =	ssettm $0x1  }
0x91: {  	s18 =	sld [smem:$0x3FFB];
	_ =	sdelay $0x3  }
0x92: {  	_ =	strace s18  }
0x93: {  	s3 =	sld [smem:$0x3FFC];
	_ =	sdelay $0x3  }
0x94: {  	_ =	strace s3  }
0x95: {  	s3 =	sld [smem:$0x3FFD];
	_ =	sdelay $0x3  }
0x96: {  	_ =	strace s3  }
0x97: {  	_ =	strace $0x8FFFFFFF  }
0x98: {  	s19 =	sld [smem:$0x3FDB];
	_ =	sdelay $0x1  }
0x99: {  	s4 =	simm.s32 $_scs_section_size  }
0x9a: {  	s5 =	simm.s32 $_size__tile_overlayer_lowered;
	s6 =	simm.s32 $_tile_overlayer_lowered  }
0x9b: {  	s22 =	simm.s32 $0x1BFF;
	s21 =	sshll.u32 s6, $0x1;
	s3 =	sadd.s32 s4, s19  }
0x9c: {  	s7 =	simm.s32 $0x0;
	s20 =	sshll.u32 s5, $0x1;
	s5 =	sadd.s32 s21, s3  }
0x9d: {  	[timem:s7], [sflag:s22] =	dma.local [hbm:s5], s20  }
0x9e: {  	_ =	swait.ge [sflag:s22], s20  }
0x9f: {  	s4 =	ssub.s32 $0x0, s20;
	[sflag:s22] =	ssyncset.done $0x0  }
0xa0: {  	[sflag:s22] =	ssyncadd.s32 s4;
	_ =	sdelay $0x1  }
0xa1: {  	s23 =	simm.s32 $0x1B8B  }
0xa2: {  	_ =	swait.ge [sflag:s23], $0x1  }
0xa3: {  	[sflag:s23] =	ssyncset.done $0x0  }
0xa4: {  	s25 =	simm.s32 $0x1B8E;
	s24 =	sld [smem:$0x3FFE];
	[sflag:s23] =	ssyncadd.s32 $0xFFFFFFFF  }
0xa5: {  	s26 =	simm.s32 $execute0_lowered;
	[smem:$0x3FD2] =	sst s25  }
0xa6: {  	s5 =	sshll.u32 s26, $0x1;
	_ =	strace $0x80000046;
	[dreg:$0x1] =	wrdreg $0xFFFFFFFF  }
0xa7: {  	s28 =	simm.s32 $_size_execute0_lowered;
	s3 =	sadd.s32 s3, s5;
	[dreg:$0x0] =	wrdreg $0x0  }
0xa8: {  	s5 =	sshll.u32 s28, $0x1;
	[dreg:$0x2] =	wrdreg s3  }
0xa9: {  	[dreg:$0x3] =	wrdreg s5  }
0xaa: {  	[dreg:$0x4] =	wrdreg $0xC0  }
0xab: {  	_ =	task [dreg:s7], $0x5FFFF  }
0xac: {  	[dreg:$0x1] =	wrdreg $0xFFFFFFFF  }
0xad: {  	[dreg:$0x0] =	wrdreg $0x60  }
0xae: {  	[dreg:$0x2] =	wrdreg s2  }
0xaf: {  	[dreg:$0x3] =	wrdreg s24  }
0xb0: {  	[dreg:$0x4] =	wrdreg $0x9  }
0xb1: {  	_ =	task.clear_ibuf [dreg:s7], $0x5FFFF;
	_ =	strace $0x90000046  }
0xb2: {  	s29 =	simm.s32 $0x9;
	_ =	strace $0x80000048  }
0xb3: {  	_ =	swait.ge [sflag:s29], $0x1  }
0xb4: {  	[sflag:s29] =	ssyncadd.s32 $0xFFFFFFFF  }
0xb5: {  	_ =	strace $0x90000048  }
0xb6: {  	_ =	sfence  }
0xb7: {  	s30 =	sld [smem:$0x0];
	_ =	sdelay $0x2  }
0xb8: {  	s31 =	sshll.u32 s1, $0xD;
	s1 =	sshrl.u32 s1, $0x2  }
0xb9: {  	s3 =	sand.u32 $0x4000, s31;
	s1 =	sadd.s32 s1, s30  }
0xba: {  	s0 =	sor.u32 s3, s0;
	s1 =	sshll.u32 s1, $0x11  }
0xbb: {  	s0 =	sor.u32 s1, s0  }
0xbc: {  	s0 =	sadd.s32 $0x8F2B, s0  }
0xbd: {  	[sflag:s0] =	ssyncadd.remote.s32 $0x1  }
0xbe: {  	_ =	sfence.sel $0xFFFF  }
0xbf: {  	[dreg:$0x0] =	wrdreg $0xFFFFFFFF;
	(pc) =	sbr.abs _section_cstart, $3  }
0xc0: {  	[dreg:$0x1] =	wrdreg $0xFFFFFFFF  }
0xc1: {  	_ =	task.clear_ibuf [dreg:s7], $0x2FFFF;
	_ =	strace $0x9FFFFFFF  }
0xc2: {  	(tm) =	ssettm $0x7FFFFFFF  }
0xc3: {  	_ =	shalt  }
tec
execute0_lowered:
.L_overlay_start_1:
0x0: {  	(tag) =	ssettag $0x1  }
0x1: {  	s7 =	rddreg [dreg:$0x0]  }
0x2: {  	s0 =	rddreg [dreg:$0x1]  }
0x3: {  	s1 =	srdreg.scid;
	s2 =	stileid.u32;
	s3 =	simm.s32 $0x0  }
0x4: {  	s12 =	simm.s32 $0x200;
	s13 =	simm.s32 $0x400;
	s14 =	simm.s32 $0x1000  }
0x5: {  	s15 =	simm.s32 $0x1;
	s16 =	simm.s32 $0x3200;
	s18 =	simm.s32 $0x2  }
0x6: {  	s1 =	sand.u32 $0x1, s1;
	s4 =	sshll.u32 s2, $0x8;
	[smem:$0x7FF] =	sst s3  }
0x7: {  	s28 =	sadd.s32 $0x600, s0;
	s19 =	smov.u32 s7;
	s5 =	sshll.u32 s1, $0x7  }
0x8: {  	s2 =	simm.s32 $0x0;
	s1 =	ssub.s32 $0x2, s1;
	s5 =	sor.u32 s5, s4  }
0x9: {  	_ =	strace $0x80000047;
	s29 =	sshrl.u32 s1, $0x1;
	s4 =	sshrl.u32 s5, $0x3  }
0xa: {  	s5 =	sshll.u32 s5, $0xA;
	s1 =	ssub.s32 s1, s29;
	s6 =	smul.u32 $0x880, s4  }
0xb: {  	[dreg:$0x3] =	wrdreg s28;
	s0 =	sadd.s32 s5, s0;
	s31 =	smax.u32 s1, $0x1  }
0xc: {  	s10 =	sor.u32 $0x1, s4;
	[dreg:$0x5] =	wrdreg s31;
	s30 =	sadd.s32 s7, s6  }
0xd: {  	s8 =	sadd.s32 $0x800, s0;
	s7 =	sadd.s32 $0x40, s7;
	[dreg:$0x4] =	wrdreg s30  }
.LBB2_1:
0xe: {  	[dreg:$0x6] =	wrdreg s2  }
0xf: {  	s0 =	rddreg [dreg:$0x3];
	s30 =	simm.s32 $0x5  }
0x10: {  	[tilespmem:s3], [sflag:$0x5] =	stream.linear.gather [hbm4b:s0+s3], $0x1000, $0x38;
	[tilespmem:$0x15400] =	vst v63  }
0x11: {  	_ =	swait.ge [sflag:s30], $0x1000  }
0x12: {  	[sflag:s30] =	ssyncset.done $0x0  }
0x13: {  	s23 =	simm.s32 $0x0;
	s31 =	rddreg [dreg:$0x4];
	[sflag:s30] =	ssyncadd.s32 $0xFFFFF000  }
0x14: {  	[tilespmem:s14], [sflag:$0x1] =	stream.strided.gather [hbm4b:s31+s12], $0x2200, s13, s12, $0x38;
	[tilespmem:$0x15400] =	vst v63  }
.LBB2_2:
0x15: {  	s0 =	sadd.s32 s4, s23  }
0x16: {  	_ =	swait.ge [sflag:s15], $0x2200;
	s0 =	smul.u32 $0x880, s0  }
0x17: {  	[sflag:s15] =	ssyncset.done $0x0  }
0x18: {  	p0 =	seq.s32 s23, $0x0;
	[sflag:s15] =	ssyncadd.s32 $0xFFFFDE00;
	s0 =	sadd.s32 s0, s7  }
0x19: {  	[tilespmem:s16], [sflag:$0x2] =	stream.strided.gather [hbm4b:s0+s12], $0x2200, s13, s12, $0x38;
	[tilespmem:$0x15400] =	vst v63  }
0x1a: {  	s0 =	simm.s32 @!p0 $0x3  }
0x1b: {  	_ =	swait.ge @!p0 [sflag:s0], $0x8000  }
0x1c: {  	[sflag:s0] =	ssyncset.done @!p0 $0x0  }
0x1d: {  	s1 =	simm.s32 $0x80;
	[sflag:s0] =	ssyncadd.s32 @!p0 $0xFFFF8000  }
0x1e: {  	v0 =	vld [tilespmem:s1+$0x40];
	_ =	sdelay $0x2  }
0x1f: {  	v1 =	vld [tilespmem:s1+$0xFFFFFF80];
	_ =	sdelay $0x1  }
0x20: {  	v2 =	vld [tilespmem:s1+$0xFFFFFFC0];
	v3 =	vshll.u32 v0, $0x2  }
0x21: {  	v4 =	vld [tilespmem:s1+$0x0];
	v0 =	vand.u32 $0x7F, v0;
	v3 =	vand.u32 $0xFFFFFE00, v3  }
0x22: {  	v0 =	vor.u32 v0, v3  }
0x23: {  	v3 =	vshll.u32 v1, $0x2  }
0x24: {  	v1 =	vand.u32 $0x7F, v1;
	v3 =	vand.u32 $0xFFFFFE00, v3  }
0x25: {  	v5 =	vshll.u32 v2, $0x2;
	v1 =	vor.u32 v1, v3  }
0x26: {  	v2 =	vand.u32 $0x7F, v2;
	v3 =	vand.u32 $0xFFFFFE00, v5;
	v5 =	vshll.u32 v4, $0x2  }
0x27: {  	v4 =	vand.u32 $0x7F, v4;
	v5 =	vand.u32 $0xFFFFFE00, v5;
	v2 =	vor.u32 v2, v3;
	v3 =	vld.idx.msk [tilespmem:v0+s14+$0x0], $0xffff  }
0x28: {  	v4 =	vor.u32 v4, v5;
	_ =	sdelay $0x1  }
0x29: {  	p1 =	por $0x0, $0x0;
	s5 =	simm.f32 $2.000000000e+00;
	v6 =	vor.u32 $0x80, v0;
	v5 =	vld.idx.msk [tilespmem:v1+s14+$0x0], $0xffff  }
0x2a: {  	s5 =	simm.s32 @!p1 $0x3F800000  }
0x2b: {  	v7 =	vld.idx.msk [tilespmem:v2+s14+$0x0], $0xffff;
	v3 =	vmul.f32 s5, v3  }
0x2c: {  	s24 =	simm.s32 $0xB5B0;
	v8 =	vor.u32 $0x80, v1;
	v9 =	vld.idx.msk [tilespmem:v4+s14+$0x0], $0xffff  }
0x2d: {  	[tilespmem:s24+$0xFFFF9FD0] =	vst v3  }
0x2e: {  	s6 =	simm.f32 $2.000000000e+00;
	p1 =	por $0x0, $0x0;
	v3 =	vor.u32 $0x80, v2;
	v5 =	vmul.f32 s5, v5;
	v6 =	vld.idx.msk [tilespmem:v6+s14+$0x0], $0xffff  }
0x2f: {  	s6 =	simm.s32 @!p1 $0x3F800000;
	v10 =	vor.u32 $0x80, v4  }
0x30: {  	v7 =	vmul.f32 s6, v7;
	[tilespmem:s24+$0xFFFF9E50] =	vst v5  }
0x31: {  	v5 =	vmul.f32 s5, v9;
	v9 =	vor.u32 $0x100, v0;
	v8 =	vld.idx.msk [tilespmem:v8+s14+$0x0], $0xffff  }
0x32: {  	[tilespmem:s24+$0xFFFF9ED0] =	vst v7  }
0x33: {  	[tilespmem:s24+$0xFFFF9F50] =	vst v5;
	v3 =	vld.idx.msk [tilespmem:v3+s14+$0x0], $0xffff;
	v5 =	vmul.f32 s5, v6  }
0x34: {  	v7 =	vld.idx.msk [tilespmem:v10+s14+$0x0], $0xffff;
	v6 =	vor.u32 $0x100, v1  }
0x35: {  	[tilespmem:s24+$0xFFFFBFD0] =	vst v5  }
0x36: {  	v5 =	vor.u32 $0x100, v2;
	v8 =	vmul.f32 s5, v8;
	v9 =	vld.idx.msk [tilespmem:v9+s14+$0x0], $0xffff  }
0x37: {  	v10 =	vor.u32 $0x100, v4  }
0x38: {  	v3 =	vmul.f32 s6, v3;
	[tilespmem:s24+$0xFFFFBE50] =	vst v8  }
0x39: {  	v0 =	vor.u32 $0x180, v0;
	v7 =	vmul.f32 s5, v7;
	v6 =	vld.idx.msk [tilespmem:v6+s14+$0x0], $0xffff  }
0x3a: {  	[tilespmem:s24+$0xFFFFBED0] =	vst v3  }
0x3b: {  	[tilespmem:s24+$0xFFFFBF50] =	vst v7;
	v3 =	vld.idx.msk [tilespmem:v5+s14+$0x0], $0xffff;
	v5 =	vmul.f32 s5, v9  }
0x3c: {  	v1 =	vor.u32 $0x180, v1;
	v7 =	vld.idx.msk [tilespmem:v10+s14+$0x0], $0xffff  }
0x3d: {  	[tilespmem:s24+$0xFFFFDFD0] =	vst v5  }
0x3e: {  	v2 =	vor.u32 $0x180, v2;
	v5 =	vmul.f32 s5, v6;
	v0 =	vld.idx.msk [tilespmem:v0+s14+$0x0], $0xffff  }
0x3f: {  	v4 =	vor.u32 $0x180, v4  }
0x40: {  	v3 =	vmul.f32 s6, v3;
	[tilespmem:s24+$0xFFFFDE50] =	vst v5  }
0x41: {  	v5 =	vmul.f32 s5, v7;
	v1 =	vld.idx.msk [tilespmem:v1+s14+$0x0], $0xffff  }
0x42: {  	[tilespmem:s24+$0xFFFFDED0] =	vst v3  }
0x43: {  	[tilespmem:s24+$0xFFFFDF50] =	vst v5;
	v2 =	vld.idx.msk [tilespmem:v2+s14+$0x0], $0xffff;
	v0 =	vmul.f32 s5, v0  }
0x44: {  	s26 =	simm.s32 $0xC0;
	v3 =	vld.idx.msk [tilespmem:v4+s14+$0x0], $0xffff  }
0x45: {  	s9 =	sor.u32 $0x50, s26;
	[tilespmem:s24+$0xFFFFFFD0] =	vst v0  }
0x46: {  	v0 =	vmul.f32 s5, v1;
	v1 =	vld [tilespmem:s9+$0x0];
	_ =	sdelay $0x1  }
0x47: {  	v2 =	vmul.f32 s6, v2;
	[tilespmem:s24+$0xFFFFFE50] =	vst v0  }
0x48: {  	s20 =	simm.s32 $0x40;
	v0 =	vmul.f32 s5, v3;
	v3 =	vld [tilespmem:s1+$0xFFFFFF90]  }
0x49: {  	s11 =	sor.u32 $0x50, s20;
	[tilespmem:s24+$0xFFFFFED0] =	vst v2  }
0x4a: {  	[tilespmem:s24+$0xFFFFFF50] =	vst v0;
	v2 =	vld [tilespmem:s11+$0x0];
	v0 =	vshll.u32 v1, $0x2  }
0x4b: {  	v4 =	vld [tilespmem:s1+$0x10];
	v1 =	vand.u32 $0x7F, v1;
	v0 =	vand.u32 $0xFFFFFE00, v0  }
0x4c: {  	v0 =	vor.u32 v1, v0  }
0x4d: {  	v1 =	vshll.u32 v3, $0x2  }
0x4e: {  	v3 =	vand.u32 $0x7F, v3;
	v1 =	vand.u32 $0xFFFFFE00, v1  }
0x4f: {  	v1 =	vor.u32 v3, v1;
	v3 =	vshll.u32 v2, $0x2  }
0x50: {  	v2 =	vand.u32 $0x7F, v2;
	v5 =	vshll.u32 v4, $0x2;
	v3 =	vand.u32 $0xFFFFFE00, v3  }
0x51: {  	v4 =	vand.u32 $0x7F, v4;
	v2 =	vor.u32 v2, v3;
	v3 =	vand.u32 $0xFFFFFE00, v5;
	v5 =	vld.idx.msk [tilespmem:v0+s14+$0x0], $0xffff  }
0x52: {  	v3 =	vor.u32 v4, v3;
	_ =	sdelay $0x1  }
0x53: {  	v4 =	vor.u32 $0x80, v0;
	v6 =	vld.idx.msk [tilespmem:v1+s14+$0x0], $0xffff;
	_ =	sdelay $0x1  }
0x54: {  	v7 =	vld.idx.msk [tilespmem:v2+s14+$0x0], $0xffff;
	v5 =	vmul.f32 s5, v5  }
0x55: {  	v9 =	vor.u32 $0x80, v1;
	v8 =	vld.idx.msk [tilespmem:v3+s14+$0x0], $0xffff  }
0x56: {  	[tilespmem:s24+$0xFFFF9FE0] =	vst v5  }
0x57: {  	v5 =	vor.u32 $0x80, v2;
	v6 =	vmul.f32 s5, v6;
	v4 =	vld.idx.msk [tilespmem:v4+s14+$0x0], $0xffff  }
0x58: {  	v10 =	vor.u32 $0x80, v3  }
0x59: {  	v7 =	vmul.f32 s6, v7;
	[tilespmem:s24+$0xFFFF9E60] =	vst v6  }
0x5a: {  	s0 =	simm.s32 $0x180;
	v6 =	vmul.f32 s5, v8;
	v8 =	vor.u32 $0x100, v0;
	v9 =	vld.idx.msk [tilespmem:v9+s14+$0x0], $0xffff  }
0x5b: {  	[tilespmem:s24+$0xFFFF9EE0] =	vst v7;
	v7 =	vld [tilespmem:s0+$0x40]  }
0x5c: {  	v5 =	vld.idx.msk [tilespmem:v5+s14+$0x0], $0xffff;
	[tilespmem:s24+$0xFFFF9F60] =	vst v6;
	v4 =	vmul.f32 s5, v4  }
0x5d: {  	v6 =	vld.idx.msk [tilespmem:v10+s14+$0x0], $0xffff  }
0x5e: {  	v10 =	vld [tilespmem:s0+$0xFFFFFFC0];
	[tilespmem:s24+$0xFFFFBFE0] =	vst v4  }
0x5f: {  	v4 =	vld.idx.msk [tilespmem:v8+s14+$0x0], $0xffff  }
0x60: {  	v8 =	vld [tilespmem:s0+$0xFFFFFF80]  }
0x61: {  	v11 =	vor.u32 $0x100, v1;
	v12 =	vor.u32 $0x100, v2  }
0x62: {  	v14 =	vld [tilespmem:s0+$0x0];
	v13 =	vor.u32 $0x100, v3;
	v0 =	vor.u32 $0x180, v0;
	v15 =	vshll.u32 v7, $0x2  }
0x63: {  	v9 =	vmul.f32 s5, v9;
	v7 =	vand.u32 $0x7F, v7;
	v15 =	vand.u32 $0xFFFFFE00, v15  }
0x64: {  	v5 =	vmul.f32 s6, v5;
	v6 =	vmul.f32 s5, v6;
	v7 =	vor.u32 v7, v15  }
0x65: {  	v15 =	vshll.u32 v10, $0x2;
	v16 =	vshll.u32 v8, $0x2;
	v4 =	vmul.f32 s5, v4  }
0x66: {  	[tilespmem:s24+$0xFFFFBE60] =	vst v9;
	v15 =	vand.u32 $0xFFFFFE00, v15;
	v8 =	vand.u32 $0x7F, v8;
	v9 =	vand.u32 $0xFFFFFE00, v16  }
0x67: {  	v11 =	vld.idx.msk [tilespmem:v11+s14+$0x0], $0xffff;
	v16 =	vshll.u32 v14, $0x2;
	[tilespmem:s24+$0xFFFFDFE0] =	vst v4;
	v4 =	vand.u32 $0x7F, v10;
	v8 =	vor.u32 v8, v9  }
0x68: {  	[tilespmem:s24+$0xFFFFBEE0] =	vst v5;
	v5 =	vand.u32 $0x7F, v14;
	v9 =	vand.u32 $0xFFFFFE00, v16;
	v0 =	vld.idx.msk [tilespmem:v0+s14+$0x0], $0xffff;
	v4 =	vor.u32 v4, v15  }
0x69: {  	v10 =	vld.idx.msk [tilespmem:v12+s14+$0x0], $0xffff;
	v5 =	vor.u32 v5, v9  }
0x6a: {  	v1 =	vor.u32 $0x180, v1;
	[tilespmem:s24+$0xFFFFBF60] =	vst v6;
	v6 =	vld.idx.msk [tilespmem:v7+s14+$0x0], $0xffff  }
0x6b: {  	v9 =	vld.idx.msk [tilespmem:v13+s14+$0x0], $0xffff  }
0x6c: {  	v2 =	vor.u32 $0x180, v2;
	v11 =	vmul.f32 s5, v11;
	v12 =	vld.idx.msk [tilespmem:v8+s14+$0x0], $0xffff  }
0x6d: {  	p1 =	por $0x0, $0x0;
	s9 =	simm.f32 $2.000000000e+00;
	v0 =	vmul.f32 s5, v0;
	v13 =	vld.idx.msk [tilespmem:v4+s14+$0x0], $0xffff  }
0x6e: {  	s9 =	simm.s32 @!p1 $0x3F800000;
	v14 =	vor.u32 $0x80, v7;
	[tilespmem:s24+$0xFFFFDE60] =	vst v11;
	v10 =	vmul.f32 s6, v10;
	v11 =	vld.idx.msk [tilespmem:v5+s14+$0x0], $0xffff  }
0x6f: {  	s21 =	sor.u32 $0x60, s26;
	v3 =	vor.u32 $0x180, v3;
	v1 =	vld.idx.msk [tilespmem:v1+s14+$0x0], $0xffff;
	[tilespmem:s24+$0xFFFFFFE0] =	vst v0;
	v0 =	vmul.f32 s9, v6  }
0x70: {  	s25 =	simm.s32 $0xB7B0;
	p1 =	por $0x0, $0x0;
	s11 =	simm.f32 $2.000000000e+00;
	v15 =	vor.u32 $0x80, v8;
	v9 =	vmul.f32 s5, v9;
	[tilespmem:s24+$0xFFFFDEE0] =	vst v10;
	v10 =	vld [tilespmem:s21+$0x0]  }
0x71: {  	s11 =	simm.s32 @!p1 $0x3F800000;
	v6 =	vor.u32 $0x80, v4;
	[tilespmem:s25+$0xFFFF9FD0] =	vst v0;
	v0 =	vld.idx.msk [tilespmem:v2+s14+$0x0], $0xffff;
	v2 =	vmul.f32 s9, v12  }
0x72: {  	[tilespmem:s24+$0xFFFFDF60] =	vst v9;
	v9 =	vmul.f32 s11, v13  }
0x73: {  	v16 =	vor.u32 $0x80, v5;
	v12 =	vld.idx.msk [tilespmem:v14+s14+$0x0], $0xffff;
	[tilespmem:s25+$0xFFFF9E50] =	vst v2;
	v2 =	vmul.f32 s9, v11  }
0x74: {  	v1 =	vmul.f32 s5, v1;
	v3 =	vld.idx.msk [tilespmem:v3+s14+$0x0], $0xffff;
	[tilespmem:s25+$0xFFFF9ED0] =	vst v9  }
0x75: {  	v11 =	vld.idx.msk [tilespmem:v15+s14+$0x0], $0xffff;
	v9 =	vshll.u32 v10, $0x2;
	[tilespmem:s25+$0xFFFF9F50] =	vst v2;
	v2 =	vor.u32 $0x100, v7  }
0x76: {  	[tilespmem:s24+$0xFFFFFE60] =	vst v1;
	v6 =	vld.idx.msk [tilespmem:v6+s14+$0x0], $0xffff;
	v10 =	vand.u32 $0x7F, v10;
	v9 =	vand.u32 $0xFFFFFE00, v9;
	v0 =	vmul.f32 s6, v0  }
0x77: {  	v1 =	vor.u32 v10, v9;
	v9 =	vld [tilespmem:s1+$0xFFFFFFA0]  }
0x78: {  	s17 =	sor.u32 $0x60, s20;
	v13 =	vld.idx.msk [tilespmem:v16+s14+$0x0], $0xffff;
	v10 =	vmul.f32 s9, v12;
	[tilespmem:s24+$0xFFFFFEE0] =	vst v0  }
0x79: {  	v0 =	vor.u32 $0x100, v8;
	v12 =	vld [tilespmem:s17+$0x0]  }
0x7a: {  	v14 =	vor.u32 $0x100, v4;
	v3 =	vmul.f32 s5, v3;
	[tilespmem:s25+$0xFFFFBFD0] =	vst v10  }
0x7b: {  	v10 =	vor.u32 $0x100, v5;
	v11 =	vmul.f32 s9, v11;
	v2 =	vld.idx.msk [tilespmem:v2+s14+$0x0], $0xffff  }
0x7c: {  	[tilespmem:s24+$0xFFFFFF60] =	vst v3;
	v16 =	vor.u32 $0x80, v1;
	v3 =	vmul.f32 s11, v6;
	v6 =	vld.idx.msk [tilespmem:v1+s14+$0x0], $0xffff;
	v15 =	vshll.u32 v9, $0x2  }
0x7d: {  	v13 =	vmul.f32 s9, v13;
	[tilespmem:s25+$0xFFFFBE50] =	vst v11;
	v11 =	vld [tilespmem:s1+$0x20];
	v9 =	vand.u32 $0x7F, v9;
	v15 =	vand.u32 $0xFFFFFE00, v15  }
0x7e: {  	v7 =	vor.u32 $0x180, v7;
	[tilespmem:s25+$0xFFFFBED0] =	vst v3;
	v0 =	vld.idx.msk [tilespmem:v0+s14+$0x0], $0xffff;
	v3 =	vor.u32 v9, v15;
	v9 =	vshll.u32 v12, $0x2  }
0x7f: {  	v14 =	vld.idx.msk [tilespmem:v14+s14+$0x0], $0xffff;
	[tilespmem:s25+$0xFFFFBF50] =	vst v13;
	v12 =	vand.u32 $0x7F, v12;
	v9 =	vand.u32 $0xFFFFFE00, v9  }
0x80: {  	v10 =	vld.idx.msk [tilespmem:v10+s14+$0x0], $0xffff;
	v2 =	vmul.f32 s9, v2;
	v9 =	vor.u32 v12, v9  }
0x81: {  	v8 =	vor.u32 $0x180, v8;
	[tilespmem:s24+$0xFFFF9FF0] =	vst v6  }
0x82: {  	v4 =	vor.u32 $0x180, v4;
	v5 =	vor.u32 $0x180, v5;
	[tilespmem:s25+$0xFFFFDFD0] =	vst v2;
	v6 =	vld.idx.msk [tilespmem:v16+s14+$0x0], $0xffff  }
0x83: {  	v12 =	vand.u32 $0x7F, v11;
	v11 =	vshll.u32 v11, $0x2;
	v0 =	vmul.f32 s9, v0;
	v7 =	vld.idx.msk [tilespmem:v7+s14+$0x0], $0xffff  }
0x84: {  	v11 =	vand.u32 $0xFFFFFE00, v11;
	v13 =	vmul.f32 s11, v14;
	v14 =	vor.u32 $0x100, v1;
	v2 =	vld.idx.msk [tilespmem:v3+s14+$0x0], $0xffff  }
0x85: {  	v11 =	vor.u32 v12, v11;
	[tilespmem:s25+$0xFFFFDE50] =	vst v0;
	v0 =	vmul.f32 s9, v10;
	v10 =	vld.idx.msk [tilespmem:v9+s14+$0x0], $0xffff  }
0x86: {  	v12 =	vor.u32 $0x80, v3;
	[tilespmem:s25+$0xFFFFDED0] =	vst v13;
	v8 =	vld.idx.msk [tilespmem:v8+s14+$0x0], $0xffff  }
0x87: {  	v4 =	vld.idx.msk [tilespmem:v4+s14+$0x0], $0xffff;
	[tilespmem:s25+$0xFFFFDF50] =	vst v0  }
0x88: {  	v0 =	vor.u32 $0x80, v9;
	v5 =	vld.idx.msk [tilespmem:v5+s14+$0x0], $0xffff;
	[tilespmem:s24+$0xFFFFBFF0] =	vst v6  }
0x89: {  	v7 =	vmul.f32 s9, v7;
	v6 =	vld.idx.msk [tilespmem:v14+s14+$0x0], $0xffff  }
0x8a: {  	s6 =	simm.s32 $0x1C0;
	v1 =	vor.u32 $0x180, v1;
	[tilespmem:s24+$0xFFFF9E70] =	vst v2;
	v2 =	vld.idx.msk [tilespmem:v11+s14+$0x0], $0xffff  }
0x8b: {  	s21 =	sor.u32 $0x50, s6;
	v12 =	vld.idx.msk [tilespmem:v12+s14+$0x0], $0xffff;
	[tilespmem:s25+$0xFFFFFFD0] =	vst v7;
	v8 =	vmul.f32 s9, v8  }
0x8c: {  	[tilespmem:s24+$0xFFFF9EF0] =	vst v10;
	v7 =	vld [tilespmem:s21+$0x0]  }
0x8d: {  	v4 =	vmul.f32 s11, v4;
	v0 =	vld.idx.msk [tilespmem:v0+s14+$0x0], $0xffff;
	[tilespmem:s25+$0xFFFFFE50] =	vst v8  }
0x8e: {  	s5 =	simm.s32 $0x140;
	v8 =	vor.u32 $0x80, v11;
	v5 =	vmul.f32 s9, v5;
	v10 =	vld [tilespmem:s0+$0xFFFFFF90];
	[tilespmem:s24+$0xFFFFDFF0] =	vst v6  }
0x8f: {  	s22 =	sor.u32 $0x50, s5;
	[tilespmem:s25+$0xFFFFFED0] =	vst v4;
	v6 =	vor.u32 $0x100, v3;
	v1 =	vld.idx.msk [tilespmem:v1+s14+$0x0], $0xffff  }
0x90: {  	v4 =	vld [tilespmem:s22+$0x0];
	[tilespmem:s25+$0xFFFFFF50] =	vst v5  }
0x91: {  	v14 =	vor.u32 $0x100, v9;
	v5 =	vld [tilespmem:s0+$0x10];
	v13 =	vshll.u32 v7, $0x2  }
0x92: {  	[tilespmem:s24+$0xFFFF9F70] =	vst v2;
	v2 =	vand.u32 $0x7F, v7;
	v7 =	vand.u32 $0xFFFFFE00, v13  }
0x93: {  	[tilespmem:s24+$0xFFFFBE70] =	vst v12;
	v8 =	vld.idx.msk [tilespmem:v8+s14+$0x0], $0xffff;
	v7 =	vor.u32 v2, v7;
	v12 =	vshll.u32 v10, $0x2  }
0x94: {  	s26 =	sor.u32 $0x70, s26;
	v2 =	vor.u32 $0x100, v11;
	v10 =	vand.u32 $0x7F, v10;
	v6 =	vld.idx.msk [tilespmem:v6+s14+$0x0], $0xffff;
	v12 =	vand.u32 $0xFFFFFE00, v12;
	[tilespmem:s24+$0xFFFFFFF0] =	vst v1  }
0x95: {  	[tilespmem:s24+$0xFFFFBEF0] =	vst v0;
	v1 =	vor.u32 $0x180, v3;
	v3 =	vor.u32 v10, v12;
	v10 =	vshll.u32 v4, $0x2;
	v12 =	vld [tilespmem:s26+$0x0]  }
0x96: {  	v13 =	vld.idx.msk [tilespmem:v14+s14+$0x0], $0xffff;
	v0 =	vand.u32 $0x7F, v4;
	s26 =	simm.s32 $0x280;
	v4 =	vand.u32 $0xFFFFFE00, v10;
	v10 =	vshll.u32 v5, $0x2  }
0x97: {  	v5 =	vand.u32 $0x7F, v5;
	v18 =	vld [tilespmem:s26+$0x40];
	v14 =	vor.u32 v0, v4;
	v0 =	vand.u32 $0xFFFFFE00, v10  }
0x98: {  	[tilespmem:s24+$0xFFFFBF70] =	vst v8;
	v4 =	vor.u32 $0x180, v9;
	v5 =	vor.u32 v5, v0;
	v0 =	vld.idx.msk [tilespmem:v7+s14+$0x0], $0xffff  }
0x99: {  	v2 =	vld.idx.msk [tilespmem:v2+s14+$0x0], $0xffff  }
0x9a: {  	v8 =	vor.u32 $0x180, v11;
	[tilespmem:s24+$0xFFFFDE70] =	vst v6;
	v6 =	vld.idx.msk [tilespmem:v3+s14+$0x0], $0xffff;
	v9 =	vshll.u32 v12, $0x2  }
0x9b: {  	v10 =	vor.u32 $0x80, v7;
	v1 =	vld.idx.msk [tilespmem:v1+s14+$0x0], $0xffff;
	v11 =	vand.u32 $0x7F, v12;
	v9 =	vand.u32 $0xFFFFFE00, v9  }
0x9c: {  	[tilespmem:s24+$0xFFFFDEF0] =	vst v13;
	v12 =	vld.idx.msk [tilespmem:v14+s14+$0x0], $0xffff;
	v9 =	vor.u32 v11, v9  }
0x9d: {  	v11 =	vor.u32 $0x80, v3;
	v4 =	vld.idx.msk [tilespmem:v4+s14+$0x0], $0xffff;
	v0 =	vmul.f32 s9, v0  }
0x9e: {  	v13 =	vld.idx.msk [tilespmem:v5+s14+$0x0], $0xffff;
	[tilespmem:s24+$0xFFFFDF70] =	vst v2  }
0x9f: {  	v6 =	vmul.f32 s9, v6;
	[tilespmem:s25+$0xFFFF9FE0] =	vst v0;
	v0 =	vld.idx.msk [tilespmem:v8+s14+$0x0], $0xffff  }
0xa0: {  	v2 =	vor.u32 $0x80, v14;
	[tilespmem:s24+$0xFFFFFE70] =	vst v1;
	v10 =	vld.idx.msk [tilespmem:v10+s14+$0x0], $0xffff  }
0xa1: {  	v8 =	vor.u32 $0x80, v5;
	[tilespmem:s25+$0xFFFF9E60] =	vst v6;
	v6 =	vmul.f32 s11, v12;
	v12 =	vld.idx.msk [tilespmem:v9+s14+$0x0], $0xffff  }
0xa2: {  	[tilespmem:s24+$0xFFFFFEF0] =	vst v4;
	v1 =	vld.idx.msk [tilespmem:v11+s14+$0x0], $0xffff  }
0xa3: {  	s20 =	sor.u32 $0x70, s20;
	v11 =	vmul.f32 s9, v13;
	v13 =	vor.u32 $0x80, v9;
	[tilespmem:s25+$0xFFFF9EE0] =	vst v6;
	v6 =	vld [tilespmem:s1+$0xFFFFFFB0]  }
0xa4: {  	v4 =	vld [tilespmem:s20+$0x0]  }
0xa5: {  	v2 =	vld.idx.msk [tilespmem:v2+s14+$0x0], $0xffff;
	[tilespmem:s25+$0xFFFF9F60] =	vst v11;
	v11 =	vor.u32 $0x100, v7  }
0xa6: {  	[tilespmem:s24+$0xFFFFFF70] =	vst v0;
	v8 =	vld.idx.msk [tilespmem:v8+s14+$0x0], $0xffff  }
0xa7: {  	v15 =	vor.u32 $0x100, v14;
	v16 =	vor.u32 $0x100, v5;
	v0 =	vmul.f32 s9, v10;
	v10 =	vld [tilespmem:s1+$0x30];
	[tilespmem:s24+$0xFFFFA000] =	vst v12  }
0xa8: {  	v7 =	vor.u32 $0x180, v7;
	v12 =	vor.u32 $0x100, v3;
	v13 =	vld.idx.msk [tilespmem:v13+s14+$0x0], $0xffff;
	v17 =	vshll.u32 v6, $0x2  }
0xa9: {  	v20 =	vld [tilespmem:s26+$0xFFFFFFC0];
	[tilespmem:s25+$0xFFFFBFE0] =	vst v0;
	v1 =	vmul.f32 s9, v1;
	v0 =	vand.u32 $0x7F, v6;
	v6 =	vand.u32 $0xFFFFFE00, v17  }
0xaa: {  	v11 =	vld.idx.msk [tilespmem:v11+s14+$0x0], $0xffff;
	v17 =	vor.u32 $0x100, v9;
	v19 =	vmul.f32 s11, v2;
	v2 =	vor.u32 v0, v6  }
0xab: {  	v21 =	vld [tilespmem:s26+$0x0];
	[tilespmem:s25+$0xFFFFBE60] =	vst v1;
	v0 =	vmul.f32 s9, v8;
	v8 =	vand.u32 $0x7F, v4;
	v4 =	vshll.u32 v4, $0x2  }
0xac: {  	v6 =	vld [tilespmem:s26+$0xFFFFFF80];
	v1 =	vand.u32 $0xFFFFFE00, v4;
	v4 =	vand.u32 $0x7F, v10;
	v10 =	vshll.u32 v10, $0x2;
	[tilespmem:s25+$0xFFFFBEE0] =	vst v19  }
0xad: {  	v12 =	vld.idx.msk [tilespmem:v12+s14+$0x0], $0xffff;
	v1 =	vor.u32 v8, v1;
	v8 =	vshll.u32 v18, $0x2;
	[tilespmem:s24+$0xFFFFC000] =	vst v13;
	v10 =	vand.u32 $0xFFFFFE00, v10  }
0xae: {  	v13 =	vand.u32 $0x7F, v18;
	[tilespmem:s25+$0xFFFFBF60] =	vst v0;
	v8 =	vand.u32 $0xFFFFFE00, v8;
	v0 =	vor.u32 v4, v10;
	v10 =	vld.idx.msk [tilespmem:v15+s14+$0x0], $0xffff  }
0xaf: {  	v3 =	vor.u32 $0x180, v3;
	v15 =	vld.idx.msk [tilespmem:v16+s14+$0x0], $0xffff;
	v8 =	vor.u32 v13, v8;
	v4 =	vmul.f32 s9, v11  }
0xb0: {  	v9 =	vor.u32 $0x180, v9;
	v18 =	vand.u32 $0x7F, v20;
	v17 =	vld.idx.msk [tilespmem:v17+s14+$0x0], $0xffff;
	v13 =	vshll.u32 v20, $0x2  }
0xb1: {  	v11 =	vshll.u32 v6, $0x2;
	v6 =	vand.u32 $0x7F, v6;
	v13 =	vand.u32 $0xFFFFFE00, v13;
	v16 =	vld.idx.msk [tilespmem:v2+s14+$0x0], $0xffff;
	[tilespmem:s25+$0xFFFFDFE0] =	vst v4  }
0xb2: {  	v11 =	vand.u32 $0xFFFFFE00, v11;
	v13 =	vor.u32 v18, v13;
	v12 =	vmul.f32 s9, v12;
	v7 =	vld.idx.msk [tilespmem:v7+s14+$0x0], $0xffff  }
0xb3: {  	v4 =	vshll.u32 v21, $0x2;
	v6 =	vor.u32 v6, v11;
	v18 =	vld.idx.msk [tilespmem:v1+s14+$0x0], $0xffff  }
0xb4: {  	v11 =	vand.u32 $0x7F, v21;
	v4 =	vand.u32 $0xFFFFFE00, v4;
	[tilespmem:s25+$0xFFFFDE60] =	vst v12;
	v19 =	vld.idx.msk [tilespmem:v8+s14+$0x0], $0xffff  }
0xb5: {  	v11 =	vor.u32 v11, v4;
	[tilespmem:s24+$0xFFFFE000] =	vst v17;
	v3 =	vld.idx.msk [tilespmem:v3+s14+$0x0], $0xffff  }
0xb6: {  	v5 =	vor.u32 $0x180, v5;
	v4 =	vld.idx.msk [tilespmem:v9+s14+$0x0], $0xffff  }
0xb7: {  	v10 =	vmul.f32 s11, v10;
	v20 =	vld.idx.msk [tilespmem:v13+s14+$0x0], $0xffff  }
0xb8: {  	v14 =	vor.u32 $0x180, v14;
	v15 =	vmul.f32 s9, v15;
	v17 =	vld.idx.msk [tilespmem:v6+s14+$0x0], $0xffff  }
0xb9: {  	s28 =	simm.f32 $2.000000000e+00;
	p1 =	por $0x0, $0x0;
	v54 =	vor.u32 $0x80, v8;
	v9 =	vld.idx.msk [tilespmem:v0+s14+$0x0], $0xffff;
	[tilespmem:s25+$0xFFFFDEE0] =	vst v10;
	v7 =	vmul.f32 s9, v7  }
0xba: {  	s30 =	simm.f32 $2.000000000e+00;
	s28 =	simm.s32 @!p1 $0x3F800000;
	p1 =	por $0x0, $0x0;
	v22 =	vor.u32 $0x80, v2;
	[tilespmem:s25+$0xFFFFDF60] =	vst v15;
	v12 =	vld.idx.msk [tilespmem:v11+s14+$0x0], $0xffff  }
0xbb: {  	s30 =	simm.s32 @!p1 $0x3F800000;
	s2 =	sor.u32 $0x60, s6;
	v23 =	vor.u32 $0x80, v13;
	v5 =	vld.idx.msk [tilespmem:v5+s14+$0x0], $0xffff;
	[tilespmem:s25+$0xFFFFFFE0] =	vst v7;
	v7 =	vmul.f32 s28, v19  }
0xbc: {  	s29 =	simm.s32 $0xB9B0;
	[tilespmem:s24+$0xFFFF9E80] =	vst v16;
	v19 =	vor.u32 $0x80, v6;
	v10 =	vld [tilespmem:s2+$0x0];
	v15 =	vmul.f32 s30, v20  }
0xbd: {  	[tilespmem:s29+$0xFFFF9FD0] =	vst v7;
	v7 =	vld.idx.msk [tilespmem:v14+s14+$0x0], $0xffff;
	v14 =	vor.u32 $0x80, v11;
	v17 =	vmul.f32 s28, v17  }
0xbe: {  	v21 =	vld.idx.msk [tilespmem:v54+s14+$0x0], $0xffff;
	[tilespmem:s29+$0xFFFF9ED0] =	vst v15  }
0xbf: {  	v16 =	vor.u32 $0x80, v1;
	v12 =	vmul.f32 s28, v12;
	[tilespmem:s29+$0xFFFF9E50] =	vst v17;
	v17 =	vld.idx.msk [tilespmem:v22+s14+$0x0], $0xffff  }
0xc0: {  	[tilespmem:s24+$0xFFFF9F00] =	vst v18;
	v3 =	vmul.f32 s9, v3;
	v20 =	vld.idx.msk [tilespmem:v23+s14+$0x0], $0xffff  }
0xc1: {  	v5 =	vmul.f32 s9, v5;
	v19 =	vld.idx.msk [tilespmem:v19+s14+$0x0], $0xffff;
	v15 =	vshll.u32 v10, $0x2;
	[tilespmem:s29+$0xFFFF9F50] =	vst v12;
	v12 =	vor.u32 $0x100, v8  }
0xc2: {  	[tilespmem:s25+$0xFFFFFE60] =	vst v3;
	v10 =	vand.u32 $0x7F, v10;
	v15 =	vand.u32 $0xFFFFFE00, v15;
	v14 =	vld.idx.msk [tilespmem:v14+s14+$0x0], $0xffff;
	v3 =	vmul.f32 s11, v7  }
0xc3: {  	[tilespmem:s25+$0xFFFFFF60] =	vst v5;
	v7 =	vor.u32 v10, v15;
	v10 =	vmul.f32 s28, v21;
	v15 =	vld [tilespmem:s0+$0xFFFFFFA0]  }
0xc4: {  	s17 =	sor.u32 $0x60, s5;
	v18 =	vor.u32 $0x100, v6;
	[tilespmem:s25+$0xFFFFFEE0] =	vst v3;
	v3 =	vld.idx.msk [tilespmem:v16+s14+$0x0], $0xffff  }
0xc5: {  	v16 =	vor.u32 $0x100, v13;
	[tilespmem:s29+$0xFFFFBFD0] =	vst v10;
	v10 =	vld [tilespmem:s17+$0x0]  }
0xc6: {  	v55 =	vor.u32 $0x100, v11;
	v24 =	vld [tilespmem:s0+$0x20];
	v19 =	vmul.f32 s28, v19  }
0xc7: {  	v57 =	vor.u32 $0x100, v2;
	[tilespmem:s24+$0xFFFF9F80] =	vst v9;
	v5 =	vmul.f32 s30, v20;
	v12 =	vld.idx.msk [tilespmem:v12+s14+$0x0], $0xffff  }
0xc8: {  	v56 =	vor.u32 $0x80, v0;
	v14 =	vmul.f32 s28, v14;
	v20 =	vld.idx.msk [tilespmem:v7+s14+$0x0], $0xffff;
	[tilespmem:s29+$0xFFFFBE50] =	vst v19;
	v19 =	vshll.u32 v15, $0x2  }
0xc9: {  	[tilespmem:s29+$0xFFFFBED0] =	vst v5;
	v18 =	vld.idx.msk [tilespmem:v18+s14+$0x0], $0xffff;
	v5 =	vand.u32 $0xFFFFFE00, v19;
	v19 =	vor.u32 $0x80, v7  }
0xca: {  	v8 =	vor.u32 $0x180, v8;
	v15 =	vand.u32 $0x7F, v15;
	v16 =	vld.idx.msk [tilespmem:v16+s14+$0x0], $0xffff;
	[tilespmem:s29+$0xFFFFBF50] =	vst v14;
	v14 =	vshll.u32 v10, $0x2  }
0xcb: {  	[tilespmem:s24+$0xFFFFBE80] =	vst v17;
	v5 =	vor.u32 v15, v5;
	v9 =	vand.u32 $0x7F, v10;
	v10 =	vld.idx.msk [tilespmem:v55+s14+$0x0], $0xffff;
	v14 =	vand.u32 $0xFFFFFE00, v14  }
0xcc: {  	v15 =	vld.idx.msk [tilespmem:v57+s14+$0x0], $0xffff;
	v12 =	vmul.f32 s28, v12;
	v9 =	vor.u32 v9, v14  }
0xcd: {  	v6 =	vor.u32 $0x180, v6;
	v14 =	vld.idx.msk [tilespmem:v56+s14+$0x0], $0xffff;
	[tilespmem:s25+$0xFFFF9FF0] =	vst v20  }
0xce: {  	v11 =	vor.u32 $0x180, v11;
	v13 =	vor.u32 $0x180, v13;
	[tilespmem:s29+$0xFFFFDFD0] =	vst v12;
	v17 =	vld.idx.msk [tilespmem:v19+s14+$0x0], $0xffff  }
0xcf: {  	v58 =	vor.u32 $0x100, v7;
	v20 =	vshll.u32 v24, $0x2;
	v18 =	vmul.f32 s28, v18;
	v8 =	vld.idx.msk [tilespmem:v8+s14+$0x0], $0xffff  }
0xd0: {  	v19 =	vand.u32 $0x7F, v24;
	v20 =	vand.u32 $0xFFFFFE00, v20;
	v16 =	vmul.f32 s30, v16;
	v12 =	vld.idx.msk [tilespmem:v5+s14+$0x0], $0xffff  }
0xd1: {  	v19 =	vor.u32 v19, v20;
	v10 =	vmul.f32 s28, v10;
	[tilespmem:s29+$0xFFFFDE50] =	vst v18;
	v18 =	vld.idx.msk [tilespmem:v9+s14+$0x0], $0xffff  }
0xd2: {  	v20 =	vor.u32 $0x80, v5;
	[tilespmem:s29+$0xFFFFDED0] =	vst v16;
	v6 =	vld.idx.msk [tilespmem:v6+s14+$0x0], $0xffff  }
0xd3: {  	v13 =	vld.idx.msk [tilespmem:v13+s14+$0x0], $0xffff;
	[tilespmem:s29+$0xFFFFDF50] =	vst v10  }
0xd4: {  	v16 =	vor.u32 $0x80, v9;
	v10 =	vld.idx.msk [tilespmem:v11+s14+$0x0], $0xffff;
	[tilespmem:s25+$0xFFFFBFF0] =	vst v17  }
0xd5: {  	[tilespmem:s24+$0xFFFFBF00] =	vst v3;
	v11 =	vor.u32 $0x100, v1;
	v8 =	vmul.f32 s28, v8;
	v17 =	vld.idx.msk [tilespmem:v58+s14+$0x0], $0xffff  }
0xd6: {  	s1 =	simm.s32 $0x2C0;
	[tilespmem:s25+$0xFFFF9E70] =	vst v12;
	v12 =	vld.idx.msk [tilespmem:v19+s14+$0x0], $0xffff  }
0xd7: {  	s20 =	sor.u32 $0x50, s1;
	v20 =	vld.idx.msk [tilespmem:v20+s14+$0x0], $0xffff;
	[tilespmem:s29+$0xFFFFFFD0] =	vst v8  }
0xd8: {  	v7 =	vor.u32 $0x180, v7;
	[tilespmem:s25+$0xFFFF9EF0] =	vst v18;
	v6 =	vmul.f32 s28, v6;
	v3 =	vld [tilespmem:s20+$0x0]  }
0xd9: {  	[tilespmem:s24+$0xFFFFDE80] =	vst v15;
	v13 =	vmul.f32 s30, v13;
	v8 =	vld.idx.msk [tilespmem:v16+s14+$0x0], $0xffff  }
0xda: {  	s21 =	simm.s32 $0x240;
	v16 =	vor.u32 $0x80, v19;
	[tilespmem:s29+$0xFFFFFE50] =	vst v6;
	v6 =	vld.idx.msk [tilespmem:v11+s14+$0x0], $0xffff  }
0xdb: {  	s22 =	sor.u32 $0x50, s21;
	v2 =	vor.u32 $0x180, v2;
	v10 =	vmul.f32 s28, v10;
	[tilespmem:s29+$0xFFFFFED0] =	vst v13;
	v18 =	vld [tilespmem:s26+$0xFFFFFF90]  }
0xdc: {  	v11 =	vor.u32 $0x100, v5;
	[tilespmem:s25+$0xFFFFDFF0] =	vst v17;
	v59 =	vld [tilespmem:s22+$0x0]  }
0xdd: {  	v17 =	vor.u32 $0x100, v9;
	[tilespmem:s29+$0xFFFFFF50] =	vst v10;
	v7 =	vld.idx.msk [tilespmem:v7+s14+$0x0], $0xffff  }
0xde: {  	v13 =	vor.u32 $0x100, v0;
	[tilespmem:s25+$0xFFFF9F70] =	vst v12;
	v10 =	vld [tilespmem:s26+$0x10]  }
0xdf: {  	[tilespmem:s25+$0xFFFFBE70] =	vst v20;
	v60 =	vshll.u32 v3, $0x2;
	v16 =	vld.idx.msk [tilespmem:v16+s14+$0x0], $0xffff  }
0xe0: {  	v2 =	vld.idx.msk [tilespmem:v2+s14+$0x0], $0xffff;
	v3 =	vand.u32 $0x7F, v3;
	v12 =	vand.u32 $0xFFFFFE00, v60;
	[tilespmem:s25+$0xFFFFBEF0] =	vst v8;
	v8 =	vor.u32 $0x100, v19  }
0xe1: {  	v3 =	vor.u32 v3, v12;
	v11 =	vld.idx.msk [tilespmem:v11+s14+$0x0], $0xffff;
	v20 =	vshll.u32 v18, $0x2  }
0xe2: {  	[tilespmem:s24+$0xFFFFBF80] =	vst v14;
	v5 =	vor.u32 $0x180, v5;
	v12 =	vand.u32 $0x7F, v18;
	v17 =	vld.idx.msk [tilespmem:v17+s14+$0x0], $0xffff;
	v14 =	vand.u32 $0xFFFFFE00, v20  }
0xe3: {  	s6 =	sor.u32 $0x70, s6;
	v9 =	vor.u32 $0x180, v9;
	[tilespmem:s25+$0xFFFFFFF0] =	vst v7;
	v7 =	vld.idx.msk [tilespmem:v13+s14+$0x0], $0xffff;
	v12 =	vor.u32 v12, v14;
	v14 =	vshll.u32 v59, $0x2  }
0xe4: {  	v13 =	vand.u32 $0x7F, v59;
	v15 =	vshll.u32 v10, $0x2;
	v18 =	vld [tilespmem:s6+$0x0];
	v14 =	vand.u32 $0xFFFFFE00, v14;
	[tilespmem:s25+$0xFFFFBF70] =	vst v16  }
0xe5: {  	v10 =	vand.u32 $0x7F, v10;
	v13 =	vor.u32 v13, v14;
	v14 =	vand.u32 $0xFFFFFE00, v15;
	v8 =	vld.idx.msk [tilespmem:v8+s14+$0x0], $0xffff  }
0xe6: {  	[tilespmem:s25+$0xFFFFDE70] =	vst v11;
	v20 =	vor.u32 v10, v14;
	v10 =	vld.idx.msk [tilespmem:v3+s14+$0x0], $0xffff  }
0xe7: {  	v14 =	vor.u32 $0x180, v1;
	v5 =	vld.idx.msk [tilespmem:v5+s14+$0x0], $0xffff;
	[tilespmem:s25+$0xFFFFDEF0] =	vst v17  }
0xe8: {  	[tilespmem:s24+$0x0] =	vst v4;
	v4 =	vor.u32 $0x180, v19;
	v9 =	vld.idx.msk [tilespmem:v9+s14+$0x0], $0xffff  }
0xe9: {  	v11 =	vld.idx.msk [tilespmem:v12+s14+$0x0], $0xffff;
	v1 =	vshll.u32 v18, $0x2  }
0xea: {  	[tilespmem:s24+$0xFFFFDF00] =	vst v6;
	v15 =	vor.u32 $0x80, v3;
	v16 =	vand.u32 $0x7F, v18;
	v1 =	vand.u32 $0xFFFFFE00, v1;
	v6 =	vld.idx.msk [tilespmem:v13+s14+$0x0], $0xffff  }
0xeb: {  	[tilespmem:s24+$0xFFFFDF80] =	vst v7;
	v1 =	vor.u32 v16, v1;
	v17 =	vld.idx.msk [tilespmem:v20+s14+$0x0], $0xffff  }
0xec: {  	v16 =	vor.u32 $0x80, v12;
	[tilespmem:s25+$0xFFFFDF70] =	vst v8;
	v7 =	vmul.f32 s28, v10;
	v19 =	vld.idx.msk [tilespmem:v14+s14+$0x0], $0xffff  }
0xed: {  	v4 =	vld.idx.msk [tilespmem:v4+s14+$0x0], $0xffff;
	[tilespmem:s25+$0xFFFFFE70] =	vst v5  }
0xee: {  	v8 =	vor.u32 $0x80, v13;
	v62 =	vld [tilespmem:s0+$0xFFFFFFB0];
	v10 =	vmul.f32 s28, v11;
	[tilespmem:s29+$0xFFFF9FE0] =	vst v7  }
0xef: {  	[tilespmem:s24+$0xFFFFFE80] =	vst v2;
	v11 =	vor.u32 $0x80, v20;
	v2 =	vld.idx.msk [tilespmem:v15+s14+$0x0], $0xffff  }
0xf0: {  	[tilespmem:s29+$0xFFFF9E60] =	vst v10;
	v6 =	vmul.f32 s30, v6;
	v18 =	vld.idx.msk [tilespmem:v1+s14+$0x0], $0xffff  }
0xf1: {  	s5 =	sor.u32 $0x70, s5;
	v63 =	vor.u32 $0x80, v1;
	[tilespmem:s25+$0xFFFFFEF0] =	vst v9;
	v61 =	vld.idx.msk [tilespmem:v16+s14+$0x0], $0xffff;
	v5 =	vmul.f32 s28, v17  }
0xf2: {  	v9 =	vld [tilespmem:s5+$0x0];
	[tilespmem:s29+$0xFFFF9EE0] =	vst v6  }
0xf3: {  	v0 =	vor.u32 $0x180, v0;
	v7 =	vor.u32 $0x100, v13;
	v16 =	vor.u32 $0x100, v3;
	v14 =	vld.idx.msk [tilespmem:v8+s14+$0x0], $0xffff;
	[tilespmem:s29+$0xFFFF9F60] =	vst v5  }
0xf4: {  	s31 =	sshll.u32 s23, $0x1;
	v10 =	vor.u32 $0x100, v12;
	[tilespmem:s25+$0xFFFFFF70] =	vst v4;
	v4 =	vor.u32 $0x180, v20;
	v6 =	vor.u32 $0x180, v12;
	v15 =	vld.idx.msk [tilespmem:v11+s14+$0x0], $0xffff  }
0xf5: {  	s9 =	simm.s32 $0x8;
	s11 =	simm.s32 $0x380;
	s20 =	sor.u32 $0x60, s21;
	v12 =	vand.u32 $0x7F, v62;
	v8 =	vor.u32 $0x100, v20;
	v17 =	vmul.f32 s28, v2;
	v2 =	vld [tilespmem:s0+$0x30];
	[tilespmem:s25+$0xFFFFA000] =	vst v18  }
0xf6: {  	s6 =	simm.s32 $0x2C0;
	s5 =	sor.u32 $0x70, s21;
	[tilespmem:s24+$0xFFFFFF00] =	vst v19;
	v5 =	vor.u32 $0x180, v13;
	v13 =	vshll.u32 v62, $0x2;
	s0 =	simm.s32 $0xB9B0;
	v18 =	vmul.f32 s28, v61;
	v11 =	vld.idx.msk [tilespmem:v63+s14+$0x0], $0xffff  }
.LBB2_3:
0xf7: {  	v19 =	vld [tilespmem:s11+$0x40];
	[tilespmem:s29+$0xFFFFBFE0] =	vst v17;
	v13 =	vand.u32 $0xFFFFFE00, v13  }
0xf8: {  	v14 =	vmul.f32 s30, v14;
	[tilespmem:s29+$0xFFFFBE60] =	vst v18;
	v16 =	vld.idx.msk [tilespmem:v16+s14+$0x0], $0xffff;
	v12 =	vor.u32 v12, v13;
	v13 =	vor.u32 $0x100, v1  }
0xf9: {  	v15 =	vmul.f32 s28, v15;
	v17 =	vld [tilespmem:s11+$0xFFFFFF80];
	v18 =	vand.u32 $0x7F, v9;
	v9 =	vshll.u32 v9, $0x2  }
0xfa: {  	v20 =	vld [tilespmem:s11+$0xFFFFFFC0];
	[tilespmem:s29+$0xFFFFBEE0] =	vst v14;
	v9 =	vand.u32 $0xFFFFFE00, v9;
	v14 =	vand.u32 $0x7F, v2;
	v2 =	vshll.u32 v2, $0x2  }
0xfb: {  	v21 =	vld [tilespmem:s11+$0x0];
	[tilespmem:s29+$0xFFFFBF60] =	vst v15;
	v15 =	vor.u32 $0x80, v12;
	v18 =	vor.u32 v18, v9;
	v2 =	vand.u32 $0xFFFFFE00, v2  }
0xfc: {  	v3 =	vor.u32 $0x180, v3;
	v9 =	vshll.u32 v19, $0x2;
	v22 =	vld.idx.msk [tilespmem:v10+s14+$0x0], $0xffff;
	v14 =	vor.u32 v14, v2;
	[tilespmem:s25+$0xFFFFC000] =	vst v11  }
0xfd: {  	v2 =	vand.u32 $0x7F, v19;
	v19 =	vor.u32 $0x80, v18;
	v9 =	vand.u32 $0xFFFFFE00, v9;
	v10 =	vld.idx.msk [tilespmem:v13+s14+$0x0], $0xffff  }
0xfe: {  	v13 =	vshll.u32 v17, $0x2;
	v11 =	vor.u32 v2, v9;
	v2 =	vld.idx.msk [tilespmem:v7+s14+$0x0], $0xffff;
	v7 =	vmul.f32 s28, v16  }
0xff: {  	v1 =	vor.u32 $0x180, v1;
	v9 =	vand.u32 $0xFFFFFE00, v13;
	v13 =	vshll.u32 v20, $0x2;
	v16 =	vld.idx.msk [tilespmem:v8+s14+$0x0], $0xffff  }
0x100: {  	v8 =	vand.u32 $0x7F, v17;
	v13 =	vand.u32 $0xFFFFFE00, v13;
	v17 =	vshll.u32 v21, $0x2;
	[tilespmem:s29+$0xFFFFDFE0] =	vst v7;
	v7 =	vld.idx.msk [tilespmem:v12+s14+$0x0], $0xffff  }
0x101: {  	v20 =	vand.u32 $0x7F, v20;
	v21 =	vand.u32 $0x7F, v21;
	v17 =	vand.u32 $0xFFFFFE00, v17;
	v3 =	vld.idx.msk [tilespmem:v3+s14+$0x0], $0xffff  }
0x102: {  	v23 =	vor.u32 v8, v9;
	v13 =	vor.u32 v20, v13;
	v17 =	vor.u32 v21, v17;
	v20 =	vld.idx.msk [tilespmem:v18+s14+$0x0], $0xffff  }
0x103: {  	v21 =	vor.u32 $0x80, v23;
	v24 =	vor.u32 $0x80, v13;
	v25 =	vor.u32 $0x80, v17;
	v26 =	vld.idx.msk [tilespmem:v11+s14+$0x0], $0xffff;
	[tilespmem:s25+$0xFFFFE000] =	vst v10  }
0x104: {  	v27 =	vor.u32 $0x100, v23;
	v28 =	vor.u32 $0x100, v13;
	v29 =	vor.u32 $0x100, v17;
	v30 =	vld.idx.msk [tilespmem:v1+s14+$0x0], $0xffff  }
0x105: {  	v9 =	vor.u32 $0x180, v13;
	v10 =	vor.u32 $0x180, v23;
	v8 =	vor.u32 $0x180, v17;
	v31 =	vld.idx.msk [tilespmem:v14+s14+$0x0], $0xffff  }
0x106: {  	v32 =	vor.u32 $0x80, v14;
	v1 =	vmul.f32 s28, v22;
	v22 =	vmul.f32 s30, v2;
	[tilespmem:s25+$0xFFFF9E80] =	vst v7;
	v33 =	vld.idx.msk [tilespmem:v0+s14+$0x0], $0xffff  }
0x107: {  	s9 =	sadd.s32 $0x4, s9;
	s21 =	simm.f32 $2.000000000e+00;
	s22 =	simm.f32 $2.000000000e+00;
	v34 =	vor.u32 $0x100, v12;
	v16 =	vmul.f32 s28, v16;
	v0 =	vmul.f32 s28, v3;
	v23 =	vld.idx.msk [tilespmem:v23+s14+$0x0], $0xffff  }
0x108: {  	p2 =	sgt.u32 s9, $0x1F;
	p3 =	sgt.u32 s9, $0x1E;
	p1 =	slt.u32 s9, $0x3C;
	v35 =	vor.u32 $0x80, v11;
	v3 =	vor.u32 $0x100, v18;
	v7 =	vor.u32 $0x100, v14;
	v13 =	vld.idx.msk [tilespmem:v13+s14+$0x0], $0xffff;
	[tilespmem:s29+$0xFFFFDE60] =	vst v1  }
0x109: {  	s21 =	simm.s32 @!p2 $0x3F800000;
	s22 =	simm.s32 @!p3 $0x3F800000;
	v2 =	vor.u32 $0x180, v18;
	v1 =	vor.u32 $0x180, v12;
	v17 =	vld.idx.msk [tilespmem:v17+s14+$0x0], $0xffff;
	[tilespmem:s29+$0xFFFFFFE0] =	vst v0;
	v0 =	vor.u32 $0x180, v14  }
0x10a: {  	s2 =	sor.u32 $0x60, s1;
	v12 =	vmul.f32 s21, v26;
	v6 =	vld.idx.msk [tilespmem:v6+s14+$0x0], $0xffff;
	[tilespmem:s25+$0x0] =	vst v30  }
0x10b: {  	s29 =	sadd.s32 $0x200, s29;
	[tilespmem:s0+$0xFFFFDEE0] =	vst v22;
	v14 =	vld [tilespmem:s2+$0x0]  }
0x10c: {  	[tilespmem:s29+$0xFFFF9FD0] =	vst v12;
	v5 =	vld.idx.msk [tilespmem:v5+s14+$0x0], $0xffff  }
0x10d: {  	v12 =	vmul.f32 s21, v23;
	v18 =	vld.idx.msk [tilespmem:v35+s14+$0x0], $0xffff;
	[tilespmem:s0+$0xFFFFDF60] =	vst v16  }
0x10e: {  	v13 =	vmul.f32 s22, v13;
	v4 =	vld.idx.msk [tilespmem:v4+s14+$0x0], $0xffff;
	[tilespmem:s25+$0xFFFF9F00] =	vst v20  }
0x10f: {  	[tilespmem:s29+$0xFFFF9E50] =	vst v12;
	v12 =	vmul.f32 s21, v17;
	v15 =	vld.idx.msk [tilespmem:v15+s14+$0x0], $0xffff  }
0x110: {  	v6 =	vmul.f32 s28, v6;
	v16 =	vld.idx.msk [tilespmem:v21+s14+$0x0], $0xffff;
	[tilespmem:s29+$0xFFFF9ED0] =	vst v13;
	v13 =	vshll.u32 v14, $0x2  }
0x111: {  	v14 =	vand.u32 $0x7F, v14;
	v17 =	vld.idx.msk [tilespmem:v24+s14+$0x0], $0xffff;
	[tilespmem:s29+$0xFFFF9F50] =	vst v12;
	v12 =	vor.u32 $0x100, v11;
	v13 =	vand.u32 $0xFFFFFE00, v13  }
0x112: {  	v5 =	vmul.f32 s30, v5;
	s30 =	smov.u32 s22;
	v20 =	vld.idx.msk [tilespmem:v25+s14+$0x0], $0xffff;
	[tilespmem:s0+$0xFFFFFE60] =	vst v6;
	v6 =	vor.u32 v14, v13  }
0x113: {  	v13 =	vmul.f32 s21, v18;
	v14 =	vld [tilespmem:s26+$0xFFFFFFA0];
	[tilespmem:s25+$0xFFFF9F80] =	vst v31  }
0x114: {  	v4 =	vmul.f32 s28, v4;
	s28 =	smov.u32 s21;
	[tilespmem:s0+$0xFFFFFEE0] =	vst v5;
	v5 =	vld.idx.msk [tilespmem:v19+s14+$0x0], $0xffff  }
0x115: {  	[tilespmem:s29+$0xFFFFBFD0] =	vst v13;
	v13 =	vld [tilespmem:s20+$0x0]  }
0x116: {  	v16 =	vmul.f32 s28, v16;
	v12 =	vld.idx.msk [tilespmem:v12+s14+$0x0], $0xffff;
	[tilespmem:s0+$0xFFFFFF60] =	vst v4  }
0x117: {  	v4 =	vmul.f32 s30, v17;
	v17 =	vld.idx.msk [tilespmem:v6+s14+$0x0], $0xffff;
	[tilespmem:s25+$0xFFFFBE80] =	vst v15  }
0x118: {  	v15 =	vmul.f32 s28, v20;
	[tilespmem:s29+$0xFFFFBE50] =	vst v16;
	v16 =	vand.u32 $0x7F, v14;
	v14 =	vshll.u32 v14, $0x2;
	v18 =	vld [tilespmem:s26+$0x20]  }
0x119: {  	v19 =	vld.idx.msk [tilespmem:v27+s14+$0x0], $0xffff;
	[tilespmem:s29+$0xFFFFBED0] =	vst v4;
	v4 =	vand.u32 $0xFFFFFE00, v14;
	v14 =	vor.u32 $0x80, v6  }
0x11a: {  	v20 =	vld.idx.msk [tilespmem:v28+s14+$0x0], $0xffff;
	[tilespmem:s29+$0xFFFFBF50] =	vst v15;
	v4 =	vor.u32 v16, v4;
	v15 =	vand.u32 $0x7F, v13;
	v13 =	vshll.u32 v13, $0x2  }
0x11b: {  	v21 =	vor.u32 $0x180, v11;
	v16 =	vld.idx.msk [tilespmem:v29+s14+$0x0], $0xffff;
	v22 =	vor.u32 $0x80, v4;
	v13 =	vand.u32 $0xFFFFFE00, v13;
	[tilespmem:s25+$0xFFFFBF00] =	vst v5  }
0x11c: {  	v5 =	vor.u32 $0x100, v4;
	v11 =	vor.u32 $0x180, v4;
	v13 =	vor.u32 v15, v13;
	v15 =	vld.idx.msk [tilespmem:v32+s14+$0x0], $0xffff;
	[tilespmem:s24+$0xFFFFFF80] =	vst v33;
	s24 =	smov.u32 s25;
	s25 =	smov.u32 s0;
	s0 =	smov.u32 s29  }
0x11d: {  	v12 =	vmul.f32 s28, v12;
	v23 =	vand.u32 $0x7F, v18;
	v18 =	vshll.u32 v18, $0x2;
	[tilespmem:s25+$0xFFFF9FF0] =	vst v17;
	v17 =	vld.idx.msk [tilespmem:v34+s14+$0x0], $0xffff  }
0x11e: {  	v24 =	vor.u32 $0x80, v13;
	v25 =	vor.u32 $0x100, v13;
	v18 =	vand.u32 $0xFFFFFE00, v18;
	v14 =	vld.idx.msk [tilespmem:v14+s14+$0x0], $0xffff  }
0x11f: {  	v19 =	vmul.f32 s28, v19;
	[tilespmem:s29+$0xFFFFDFD0] =	vst v12;
	v4 =	vld.idx.msk [tilespmem:v4+s14+$0x0], $0xffff;
	v12 =	vor.u32 $0x180, v13;
	v18 =	vor.u32 v23, v18  }
0x120: {  	v26 =	vor.u32 $0x100, v6;
	v20 =	vmul.f32 s30, v20;
	v21 =	vld.idx.msk [tilespmem:v21+s14+$0x0], $0xffff;
	v23 =	vor.u32 $0x80, v18  }
0x121: {  	v16 =	vmul.f32 s28, v16;
	v27 =	vor.u32 $0x180, v18;
	[tilespmem:s29+$0xFFFFDE50] =	vst v19;
	v13 =	vld.idx.msk [tilespmem:v13+s14+$0x0], $0xffff;
	v19 =	vor.u32 $0x100, v18  }
0x122: {  	v10 =	vld.idx.msk [tilespmem:v10+s14+$0x0], $0xffff;
	[tilespmem:s29+$0xFFFFDED0] =	vst v20  }
0x123: {  	v9 =	vld.idx.msk [tilespmem:v9+s14+$0x0], $0xffff;
	[tilespmem:s29+$0xFFFFDF50] =	vst v16  }
0x124: {  	v8 =	vld.idx.msk [tilespmem:v8+s14+$0x0], $0xffff;
	[tilespmem:s25+$0xFFFFBFF0] =	vst v14  }
0x125: {  	[tilespmem:s25+$0xFFFF9E70] =	vst v4;
	v4 =	vld.idx.msk [tilespmem:v26+s14+$0x0], $0xffff  }
0x126: {  	v14 =	vmul.f32 s28, v21;
	v16 =	vld.idx.msk [tilespmem:v18+s14+$0x0], $0xffff;
	[tilespmem:s24+$0xFFFFBF80] =	vst v15  }
0x127: {  	s1 =	sadd.s32 $0x100, s1;
	v6 =	vor.u32 $0x180, v6;
	v15 =	vld.idx.msk [tilespmem:v22+s14+$0x0], $0xffff;
	[tilespmem:s25+$0xFFFF9EF0] =	vst v13  }
0x128: {  	s2 =	sadd.s32 $0xFFFFFF80, s1;
	s22 =	sor.u32 $0x50, s1;
	v10 =	vmul.f32 s28, v10;
	[tilespmem:s29+$0xFFFFFFD0] =	vst v14;
	v13 =	vld.idx.msk [tilespmem:v24+s14+$0x0], $0xffff  }
0x129: {  	s17 =	sor.u32 $0x50, s2;
	s21 =	sor.u32 $0x70, s2;
	s20 =	sor.u32 $0x60, s2;
	v9 =	vmul.f32 s30, v9;
	v14 =	vld [tilespmem:s22+$0x0];
	[tilespmem:s24+$0xFFFFDE80] =	vst v17  }
0x12a: {  	v8 =	vmul.f32 s28, v8;
	[tilespmem:s29+$0xFFFFFE50] =	vst v10;
	v10 =	vld.idx.msk [tilespmem:v3+s14+$0x0], $0xffff  }
0x12b: {  	v3 =	vld [tilespmem:s11+$0xFFFFFF90];
	[tilespmem:s25+$0xFFFFDFF0] =	vst v4  }
0x12c: {  	[tilespmem:s29+$0xFFFFFED0] =	vst v9;
	v4 =	vld.idx.msk [tilespmem:v6+s14+$0x0], $0xffff  }
0x12d: {  	v6 =	vld [tilespmem:s17+$0x0];
	[tilespmem:s29+$0xFFFFFF50] =	vst v8  }
0x12e: {  	v8 =	vld [tilespmem:s11+$0x10];
	v9 =	vshll.u32 v14, $0x2;
	[tilespmem:s25+$0xFFFF9F70] =	vst v16  }
0x12f: {  	v14 =	vand.u32 $0x7F, v14;
	v9 =	vand.u32 $0xFFFFFE00, v9;
	[tilespmem:s25+$0xFFFFBE70] =	vst v15;
	v15 =	vld.idx.msk [tilespmem:v23+s14+$0x0], $0xffff  }
0x130: {  	v16 =	vand.u32 $0x7F, v3;
	v17 =	vshll.u32 v3, $0x2;
	v3 =	vor.u32 v14, v9;
	v5 =	vld.idx.msk [tilespmem:v5+s14+$0x0], $0xffff;
	[tilespmem:s25+$0xFFFFBEF0] =	vst v13  }
0x131: {  	v9 =	vand.u32 $0xFFFFFE00, v17;
	v13 =	vld.idx.msk [tilespmem:v25+s14+$0x0], $0xffff;
	[tilespmem:s24+$0xFFFFDF00] =	vst v10  }
0x132: {  	s2 =	sor.u32 $0x70, s6;
	s6 =	smov.u32 s1;
	v9 =	vor.u32 v16, v9;
	v10 =	vand.u32 $0x7F, v6;
	v6 =	vshll.u32 v6, $0x2;
	[tilespmem:s25+$0xFFFFFFF0] =	vst v4;
	v14 =	vld.idx.msk [tilespmem:v7+s14+$0x0], $0xffff  }
0x133: {  	v4 =	vand.u32 $0xFFFFFE00, v6;
	v6 =	vand.u32 $0x7F, v8;
	v7 =	vshll.u32 v8, $0x2;
	v16 =	vld [tilespmem:s2+$0x0]  }
0x134: {  	v17 =	vor.u32 $0x80, v9;
	v18 =	vor.u32 v10, v4;
	v4 =	vand.u32 $0xFFFFFE00, v7;
	v20 =	vld.idx.msk [tilespmem:v1+s14+$0x0], $0xffff  }
0x135: {  	v10 =	vor.u32 $0x100, v9;
	v21 =	vor.u32 $0x80, v18;
	v1 =	vor.u32 v6, v4;
	v22 =	vld.idx.msk [tilespmem:v3+s14+$0x0], $0xffff;
	[tilespmem:s25+$0xFFFFBF70] =	vst v15  }
0x136: {  	v7 =	vor.u32 $0x100, v18;
	v15 =	vor.u32 $0x80, v1;
	v8 =	vor.u32 $0x100, v1;
	[tilespmem:s25+$0xFFFFDE70] =	vst v5;
	v19 =	vld.idx.msk [tilespmem:v19+s14+$0x0], $0xffff  }
0x137: {  	v6 =	vor.u32 $0x180, v9;
	v5 =	vor.u32 $0x180, v18;
	v4 =	vor.u32 $0x180, v1;
	v23 =	vld.idx.msk [tilespmem:v9+s14+$0x0], $0xffff;
	[tilespmem:s25+$0xFFFFDEF0] =	vst v13  }
0x138: {  	v9 =	vld.idx.msk [tilespmem:v11+s14+$0x0], $0xffff;
	v11 =	vshll.u32 v16, $0x2;
	[tilespmem:s24+$0xFFFFDF80] =	vst v14  }
0x139: {  	v14 =	vor.u32 $0x80, v3;
	v16 =	vand.u32 $0x7F, v16;
	v13 =	vld.idx.msk [tilespmem:v18+s14+$0x0], $0xffff;
	v11 =	vand.u32 $0xFFFFFE00, v11  }
0x13a: {  	v18 =	vld.idx.msk [tilespmem:v1+s14+$0x0], $0xffff;
	v1 =	vor.u32 v16, v11;
	[tilespmem:s24+$0xFFFFFE80] =	vst v20  }
0x13b: {  	v11 =	vmul.f32 s28, v22;
	v12 =	vld.idx.msk [tilespmem:v12+s14+$0x0], $0xffff  }
0x13c: {  	[tilespmem:s25+$0xFFFFDF70] =	vst v19;
	v19 =	vld.idx.msk [tilespmem:v2+s14+$0x0], $0xffff  }
0x13d: {  	v2 =	vmul.f32 s28, v23;
	[tilespmem:s29+$0xFFFF9FE0] =	vst v11;
	v11 =	vld.idx.msk [tilespmem:v27+s14+$0x0], $0xffff  }
0x13e: {  	v20 =	vld.idx.msk [tilespmem:v14+s14+$0x0], $0xffff;
	[tilespmem:s25+$0xFFFFFE70] =	vst v9  }
0x13f: {  	[tilespmem:s29+$0xFFFF9E60] =	vst v2;
	v2 =	vmul.f32 s30, v13;
	v13 =	vld.idx.msk [tilespmem:v1+s14+$0x0], $0xffff  }
0x140: {  	v9 =	vmul.f32 s28, v18;
	v22 =	vld.idx.msk [tilespmem:v17+s14+$0x0], $0xffff  }
0x141: {  	v24 =	vor.u32 $0x80, v1;
	[tilespmem:s29+$0xFFFF9EE0] =	vst v2;
	v23 =	vld [tilespmem:s26+$0xFFFFFFB0]  }
.Ltmp0:
0x142: {  	v14 =	vld.idx.msk [tilespmem:v21+s14+$0x0], $0xffff;
	[tilespmem:s29+$0xFFFF9F60] =	vst v9;
	(pc) =	sbr.rel @p1 .LBB2_3-.Ltmp0, $4  }
0x143: {  	v16 =	vor.u32 $0x100, v3;
	v15 =	vld.idx.msk [tilespmem:v15+s14+$0x0], $0xffff;
	[tilespmem:s25+$0xFFFFFEF0] =	vst v12  }
0x144: {  	v9 =	vld [tilespmem:s5+$0x0];
	[tilespmem:s25+$0xFFFFFF70] =	vst v11;
	s5 =	smov.u32 s21  }
0x145: {  	v17 =	vmul.f32 s28, v20;
	v2 =	vld [tilespmem:s26+$0x30];
	[tilespmem:s25+$0xFFFFA000] =	vst v13;
	s26 =	smov.u32 s11  }
0x146: {  	v18 =	vmul.f32 s28, v22;
	s11 =	sadd.s32 $0x100, s11;
	v12 =	vand.u32 $0x7F, v23;
	v13 =	vshll.u32 v23, $0x2;
	v11 =	vld.idx.msk [tilespmem:v24+s14+$0x0], $0xffff;
	[tilespmem:s24+$0xFFFFFF00] =	vst v19  }
0x147: {  	_ =	sdelay $0x2  }
0x148: {  	[tilespmem:s29+$0xFFFFBFE0] =	vst v17  }
0x149: {  	v14 =	vmul.f32 s30, v14;
	[tilespmem:s29+$0xFFFFBE60] =	vst v18;
	v16 =	vld.idx.msk [tilespmem:v16+s14+$0x0], $0xffff  }
0x14a: {  	v15 =	vmul.f32 s28, v15;
	v10 =	vld.idx.msk [tilespmem:v10+s14+$0x0], $0xffff  }
0x14b: {  	[tilespmem:s29+$0xFFFFBEE0] =	vst v14  }
0x14c: {  	v3 =	vor.u32 $0x180, v3;
	[tilespmem:s29+$0xFFFFBF60] =	vst v15;
	v7 =	vld.idx.msk [tilespmem:v7+s14+$0x0], $0xffff  }
0x14d: {  	v8 =	vld.idx.msk [tilespmem:v8+s14+$0x0], $0xffff  }
0x14e: {  	v14 =	vmul.f32 s28, v16  }
0x14f: {  	v10 =	vmul.f32 s28, v10  }
0x150: {  	[tilespmem:s29+$0xFFFFDFE0] =	vst v14  }
0x151: {  	v7 =	vmul.f32 s30, v7;
	v3 =	vld.idx.msk [tilespmem:v3+s14+$0x0], $0xffff;
	[tilespmem:s29+$0xFFFFDE60] =	vst v10  }
0x152: {  	v8 =	vmul.f32 s28, v8;
	v6 =	vld.idx.msk [tilespmem:v6+s14+$0x0], $0xffff  }
0x153: {  	[tilespmem:s0+$0xFFFFDEE0] =	vst v7  }
0x154: {  	v5 =	vld.idx.msk [tilespmem:v5+s14+$0x0], $0xffff;
	[tilespmem:s0+$0xFFFFDF60] =	vst v8  }
0x155: {  	v4 =	vld.idx.msk [tilespmem:v4+s14+$0x0], $0xffff  }
0x156: {  	v3 =	vmul.f32 s28, v3  }
0x157: {  	v6 =	vmul.f32 s28, v6  }
0x158: {  	s1 =	sor.u32 $0x60, s1;
	[tilespmem:s29+$0xFFFFFFE0] =	vst v3  }
0x159: {  	v5 =	vmul.f32 s30, v5;
	v3 =	vld [tilespmem:s1+$0x0];
	[tilespmem:s0+$0xFFFFFE60] =	vst v6  }
0x15a: {  	v4 =	vmul.f32 s28, v4;
	v6 =	vld [tilespmem:s26+$0xFFFFFFA0]  }
0x15b: {  	[tilespmem:s0+$0xFFFFFEE0] =	vst v5  }
0x15c: {  	v5 =	vld [tilespmem:s20+$0x0];
	[tilespmem:s0+$0xFFFFFF60] =	vst v4  }
0x15d: {  	v4 =	vld [tilespmem:s26+$0x20]  }
0x15e: {  	v7 =	vshll.u32 v3, $0x2  }
0x15f: {  	v3 =	vand.u32 $0x7F, v3;
	v7 =	vand.u32 $0xFFFFFE00, v7;
	v8 =	vshll.u32 v6, $0x2  }
0x160: {  	v6 =	vand.u32 $0x7F, v6;
	v3 =	vor.u32 v3, v7;
	v7 =	vand.u32 $0xFFFFFE00, v8  }
0x161: {  	v6 =	vor.u32 v6, v7;
	v7 =	vshll.u32 v5, $0x2  }
0x162: {  	v5 =	vand.u32 $0x7F, v5;
	v8 =	vshll.u32 v4, $0x2;
	v7 =	vand.u32 $0xFFFFFE00, v7  }
0x163: {  	v4 =	vand.u32 $0x7F, v4;
	v5 =	vor.u32 v5, v7;
	v7 =	vand.u32 $0xFFFFFE00, v8  }
0x164: {  	v4 =	vor.u32 v4, v7  }
0x165: {  	v7 =	vld.idx.msk [tilespmem:v3+s14+$0x0], $0xffff  }
0x166: {  	v8 =	vor.u32 $0x80, v3;
	v10 =	vld.idx.msk [tilespmem:v6+s14+$0x0], $0xffff  }
0x167: {  	v14 =	vor.u32 $0x80, v6  }
0x168: {  	v15 =	vld.idx.msk [tilespmem:v5+s14+$0x0], $0xffff  }
0x169: {  	v16 =	vor.u32 $0x80, v5;
	v17 =	vld.idx.msk [tilespmem:v4+s14+$0x0], $0xffff  }
0x16a: {  	[tilespmem:s0+$0xFFFF9FF0] =	vst v7;
	v7 =	vor.u32 $0x80, v4  }
0x16b: {  	v8 =	vld.idx.msk [tilespmem:v8+s14+$0x0], $0xffff;
	[tilespmem:s0+$0xFFFF9E70] =	vst v10  }
0x16c: {  	v10 =	vor.u32 $0x100, v3;
	v14 =	vld.idx.msk [tilespmem:v14+s14+$0x0], $0xffff  }
0x16d: {  	v18 =	vor.u32 $0x100, v6;
	[tilespmem:s0+$0xFFFF9EF0] =	vst v15  }
0x16e: {  	v15 =	vld.idx.msk [tilespmem:v16+s14+$0x0], $0xffff;
	[tilespmem:s0+$0xFFFF9F70] =	vst v17  }
0x16f: {  	v16 =	vor.u32 $0x100, v5;
	v7 =	vld.idx.msk [tilespmem:v7+s14+$0x0], $0xffff  }
0x170: {  	v17 =	vor.u32 $0x100, v4;
	[tilespmem:s0+$0xFFFFBFF0] =	vst v8  }
0x171: {  	v8 =	vld.idx.msk [tilespmem:v10+s14+$0x0], $0xffff;
	[tilespmem:s0+$0xFFFFBE70] =	vst v14  }
0x172: {  	v3 =	vor.u32 $0x180, v3;
	v10 =	vld.idx.msk [tilespmem:v18+s14+$0x0], $0xffff  }
0x173: {  	v6 =	vor.u32 $0x180, v6;
	[tilespmem:s0+$0xFFFFBEF0] =	vst v15  }
0x174: {  	v14 =	vor.u32 $0x100, v1;
	v15 =	vld.idx.msk [tilespmem:v16+s14+$0x0], $0xffff;
	[tilespmem:s0+$0xFFFFBF70] =	vst v7  }
0x175: {  	v5 =	vor.u32 $0x180, v5;
	v7 =	vld.idx.msk [tilespmem:v17+s14+$0x0], $0xffff  }
0x176: {  	v13 =	vand.u32 $0xFFFFFE00, v13;
	v4 =	vor.u32 $0x180, v4;
	[tilespmem:s0+$0xFFFFDFF0] =	vst v8  }
0x177: {  	v8 =	vor.u32 v12, v13;
	v3 =	vld.idx.msk [tilespmem:v3+s14+$0x0], $0xffff;
	[tilespmem:s0+$0xFFFFDE70] =	vst v10  }
0x178: {  	[tilespmem:s25+$0xFFFFC000] =	vst v11;
	v10 =	vshll.u32 v9, $0x2;
	v6 =	vld.idx.msk [tilespmem:v6+s14+$0x0], $0xffff  }
0x179: {  	v11 =	vld.idx.msk [tilespmem:v14+s14+$0x0], $0xffff;
	v9 =	vand.u32 $0x7F, v9;
	v10 =	vand.u32 $0xFFFFFE00, v10;
	[tilespmem:s0+$0xFFFFDEF0] =	vst v15  }
0x17a: {  	v9 =	vor.u32 v9, v10;
	v5 =	vld.idx.msk [tilespmem:v5+s14+$0x0], $0xffff;
	[tilespmem:s0+$0xFFFFDF70] =	vst v7  }
0x17b: {  	v4 =	vld.idx.msk [tilespmem:v4+s14+$0x0], $0xffff  }
0x17c: {  	s9 =	sor.u32 $0x70, s6;
	v7 =	vld.idx.msk [tilespmem:v8+s14+$0x0], $0xffff;
	[tilespmem:s0+$0xFFFFFFF0] =	vst v3  }
0x17d: {  	v3 =	vshll.u32 v2, $0x2;
	v10 =	vld [tilespmem:s9+$0x0];
	[tilespmem:s0+$0xFFFFFE70] =	vst v6  }
0x17e: {  	v2 =	vand.u32 $0x7F, v2;
	v3 =	vand.u32 $0xFFFFFE00, v3;
	v6 =	vld [tilespmem:s26+$0xFFFFFFB0]  }
0x17f: {  	v2 =	vor.u32 v2, v3;
	v3 =	vld.idx.msk [tilespmem:v9+s14+$0x0], $0xffff;
	[tilespmem:s0+$0xFFFFFEF0] =	vst v5  }
0x180: {  	v1 =	vor.u32 $0x180, v1;
	v5 =	vld [tilespmem:s5+$0x0];
	[tilespmem:s0+$0xFFFFFF70] =	vst v4  }
0x181: {  	v4 =	vor.u32 $0x80, v8;
	v12 =	vld [tilespmem:s26+$0x30]  }
0x182: {  	v13 =	vor.u32 $0x80, v9;
	v14 =	vshll.u32 v10, $0x2  }
0x183: {  	v10 =	vand.u32 $0x7F, v10;
	v14 =	vand.u32 $0xFFFFFE00, v14;
	v15 =	vshll.u32 v6, $0x2  }
0x184: {  	[tilespmem:s25+$0xFFFFE000] =	vst v11;
	v11 =	vld.idx.msk [tilespmem:v2+s14+$0x0], $0xffff;
	v6 =	vand.u32 $0x7F, v6;
	v10 =	vor.u32 v10, v14;
	v14 =	vand.u32 $0xFFFFFE00, v15  }
0x185: {  	v1 =	vld.idx.msk [tilespmem:v1+s14+$0x0], $0xffff;
	[tilespmem:s25+$0xFFFF9E80] =	vst v7;
	v7 =	vor.u32 $0x80, v2;
	v6 =	vor.u32 v6, v14;
	v14 =	vshll.u32 v5, $0x2  }
0x186: {  	[tilespmem:s25+$0xFFFF9F00] =	vst v3;
	v3 =	vld.idx.msk [tilespmem:v4+s14+$0x0], $0xffff;
	v4 =	vand.u32 $0x7F, v5;
	v5 =	vand.u32 $0xFFFFFE00, v14;
	v14 =	vshll.u32 v12, $0x2  }
0x187: {  	v13 =	vld.idx.msk [tilespmem:v13+s14+$0x0], $0xffff;
	v12 =	vand.u32 $0x7F, v12;
	v4 =	vor.u32 v4, v5;
	v5 =	vand.u32 $0xFFFFFE00, v14  }
0x188: {  	v0 =	vld.idx.msk [tilespmem:v0+s14+$0x0], $0xffff;
	v5 =	vor.u32 v12, v5  }
0x189: {  	v12 =	vor.u32 $0x100, v8;
	[tilespmem:s25+$0xFFFF9F80] =	vst v11;
	v11 =	vld.idx.msk [tilespmem:v10+s14+$0x0], $0xffff  }
0x18a: {  	[tilespmem:s25+$0x0] =	vst v1;
	v1 =	vld.idx.msk [tilespmem:v7+s14+$0x0], $0xffff;
	v7 =	vor.u32 $0x80, v10  }
0x18b: {  	v14 =	vor.u32 $0x100, v9;
	[tilespmem:s25+$0xFFFFBE80] =	vst v3;
	v3 =	vld.idx.msk [tilespmem:v6+s14+$0x0], $0xffff  }
0x18c: {  	[tilespmem:s25+$0xFFFFBF00] =	vst v13;
	v13 =	vor.u32 $0x80, v6;
	v15 =	vld.idx.msk [tilespmem:v4+s14+$0x0], $0xffff  }
0x18d: {  	[tilespmem:s24+$0xFFFFFF80] =	vst v0;
	v0 =	vor.u32 $0x80, v4;
	v16 =	vld.idx.msk [tilespmem:v5+s14+$0x0], $0xffff  }
0x18e: {  	v12 =	vld.idx.msk [tilespmem:v12+s14+$0x0], $0xffff;
	[tilespmem:s0+$0xFFFFA000] =	vst v11;
	v11 =	vor.u32 $0x80, v5  }
0x18f: {  	v17 =	vor.u32 $0x100, v2;
	[tilespmem:s25+$0xFFFFBF80] =	vst v1;
	v1 =	vld.idx.msk [tilespmem:v7+s14+$0x0], $0xffff  }
0x190: {  	v7 =	vld.idx.msk [tilespmem:v14+s14+$0x0], $0xffff;
	[tilespmem:s0+$0xFFFF9E80] =	vst v3;
	v3 =	vor.u32 $0x180, v8  }
0x191: {  	v14 =	vor.u32 $0x100, v10;
	v8 =	vld.idx.msk [tilespmem:v13+s14+$0x0], $0xffff;
	[tilespmem:s0+$0xFFFF9F00] =	vst v15  }
0x192: {  	v13 =	vor.u32 $0x100, v6;
	[tilespmem:s0+$0xFFFF9F80] =	vst v16;
	v0 =	vld.idx.msk [tilespmem:v0+s14+$0x0], $0xffff  }
0x193: {  	[tilespmem:s25+$0xFFFFDE80] =	vst v12;
	v12 =	vor.u32 $0x100, v4;
	v11 =	vld.idx.msk [tilespmem:v11+s14+$0x0], $0xffff  }
0x194: {  	v15 =	vld.idx.msk [tilespmem:v17+s14+$0x0], $0xffff;
	[tilespmem:s0+$0xFFFFC000] =	vst v1;
	v1 =	vor.u32 $0x100, v5  }
0x195: {  	v9 =	vor.u32 $0x180, v9;
	[tilespmem:s25+$0xFFFFDF00] =	vst v7;
	v3 =	vld.idx.msk [tilespmem:v3+s14+$0x0], $0xffff  }
0x196: {  	v2 =	vor.u32 $0x180, v2;
	v7 =	vld.idx.msk [tilespmem:v14+s14+$0x0], $0xffff;
	[tilespmem:s0+$0xFFFFBE80] =	vst v8  }
0x197: {  	v10 =	vor.u32 $0x180, v10;
	[tilespmem:s0+$0xFFFFBF00] =	vst v0;
	v0 =	vld.idx.msk [tilespmem:v13+s14+$0x0], $0xffff  }
0x198: {  	v6 =	vor.u32 $0x180, v6;
	[tilespmem:s0+$0xFFFFBF80] =	vst v11;
	v8 =	vld.idx.msk [tilespmem:v12+s14+$0x0], $0xffff  }
0x199: {  	v4 =	vor.u32 $0x180, v4;
	[tilespmem:s25+$0xFFFFDF80] =	vst v15;
	v1 =	vld.idx.msk [tilespmem:v1+s14+$0x0], $0xffff  }
0x19a: {  	v5 =	vor.u32 $0x180, v5;
	v9 =	vld.idx.msk [tilespmem:v9+s14+$0x0], $0xffff;
	[tilespmem:s25+$0xFFFFFE80] =	vst v3  }
0x19b: {  	v2 =	vld.idx.msk [tilespmem:v2+s14+$0x0], $0xffff;
	[tilespmem:s0+$0xFFFFE000] =	vst v7  }
0x19c: {  	v3 =	vld.idx.msk [tilespmem:v10+s14+$0x0], $0xffff;
	[tilespmem:s0+$0xFFFFDE80] =	vst v0  }
0x19d: {  	[tilespmem:s0+$0xFFFFDF00] =	vst v8;
	v0 =	vld.idx.msk [tilespmem:v6+s14+$0x0], $0xffff  }
0x19e: {  	[tilespmem:s0+$0xFFFFDF80] =	vst v1;
	v1 =	vld.idx.msk [tilespmem:v4+s14+$0x0], $0xffff  }
0x19f: {  	[tilespmem:s25+$0xFFFFFF00] =	vst v9;
	v4 =	vld.idx.msk [tilespmem:v5+s14+$0x0], $0xffff  }
0x1a0: {  	[tilespmem:s25+$0xFFFFFF80] =	vst v2  }
0x1a1: {  	[tilespmem:s0+$0x0] =	vst v3  }
0x1a2: {  	s24 =	sor.u32 $0x1, s31;
	[tilespmem:s0+$0xFFFFFE80] =	vst v0  }
0x1a3: {  	s11 =	sshll.u32 s23, $0xD;
	p1 =	sgt.u32 s24, $0x1E;
	[tilespmem:s0+$0xFFFFFF00] =	vst v1  }
0x1a4: {  	s17 =	sadd.s32 s11, s8;
	s20 =	simm.s32 $0x5400;
	[tilespmem:s0+$0xFFFFFF80] =	vst v4;
	s0 =	sadd.s32 @!p1 s23, s10  }
0x1a5: {  	[hbm4b:s17+s3] =	stream.linear.scatter [tilespmem:s20], [sflag:$0x3], $0x8000, $0x38;
	[tilespmem:$0x15400] =	vst v63  }
0x1a6: {  	s0 =	smul.u32 @!p1 $0x880, s0;
	_ =	swait.ge [sflag:s18], $0x2200  }
0x1a7: {  	s2 =	simm.s32 @!p1 $0x400;
	s1 =	simm.s32 @!p1 $0x200;
	[sflag:s18] =	ssyncset.done $0x0  }
0x1a8: {  	s5 =	simm.s32 @!p1 $0x1000;
	s0 =	sadd.s32 @!p1 s19, s0;
	[sflag:s18] =	ssyncadd.s32 $0xFFFFDE00  }
0x1a9: {  	[tilespmem:s5], [sflag:$0x1] =	stream.strided.gather @!p1 [hbm4b:s0+s1], $0x2200, s2, s1, $0x38;
	[tilespmem:$0x15400] =	vst v63  }
0x1aa: {  	s0 =	simm.s32 @!p0 $0x4  }
0x1ab: {  	_ =	swait.ge @!p0 [sflag:s0], $0x8000  }
0x1ac: {  	[sflag:s0] =	ssyncset.done @!p0 $0x0  }
0x1ad: {  	s1 =	simm.s32 $0x80;
	[sflag:s0] =	ssyncadd.s32 @!p0 $0xFFFF8000  }
0x1ae: {  	v0 =	vld [tilespmem:s1+$0x40];
	_ =	sdelay $0x2  }
0x1af: {  	v1 =	vld [tilespmem:s1+$0xFFFFFF80];
	_ =	sdelay $0x1  }
0x1b0: {  	v2 =	vld [tilespmem:s1+$0xFFFFFFC0];
	v3 =	vshll.u32 v0, $0x2  }
0x1b1: {  	v4 =	vld [tilespmem:s1+$0x0];
	v0 =	vand.u32 $0x7F, v0;
	v3 =	vand.u32 $0xFFFFFE00, v3  }
0x1b2: {  	v0 =	vor.u32 v0, v3  }
0x1b3: {  	v3 =	vshll.u32 v1, $0x2  }
0x1b4: {  	v1 =	vand.u32 $0x7F, v1;
	v3 =	vand.u32 $0xFFFFFE00, v3  }
0x1b5: {  	v5 =	vshll.u32 v2, $0x2;
	v1 =	vor.u32 v1, v3  }
0x1b6: {  	v2 =	vand.u32 $0x7F, v2;
	v3 =	vand.u32 $0xFFFFFE00, v5;
	v5 =	vshll.u32 v4, $0x2  }
0x1b7: {  	v4 =	vand.u32 $0x7F, v4;
	v5 =	vand.u32 $0xFFFFFE00, v5;
	v2 =	vor.u32 v2, v3;
	v3 =	vld.idx.msk [tilespmem:v0+s16+$0x0], $0xffff  }
0x1b8: {  	v4 =	vor.u32 v4, v5;
	_ =	sdelay $0x1  }
0x1b9: {  	s5 =	simm.f32 $2.000000000e+00;
	p0 =	por $0x0, $0x0;
	v6 =	vor.u32 $0x80, v0;
	v5 =	vld.idx.msk [tilespmem:v1+s16+$0x0], $0xffff  }
0x1ba: {  	s5 =	simm.s32 @!p0 $0x3F800000  }
0x1bb: {  	v7 =	vld.idx.msk [tilespmem:v2+s16+$0x0], $0xffff;
	v3 =	vmul.f32 s5, v3  }
0x1bc: {  	s25 =	simm.s32 $0x135B0;
	v8 =	vor.u32 $0x80, v1;
	v9 =	vld.idx.msk [tilespmem:v4+s16+$0x0], $0xffff  }
0x1bd: {  	[tilespmem:s25+$0xFFFF9FD0] =	vst v3  }
0x1be: {  	s6 =	simm.f32 $2.000000000e+00;
	p0 =	por $0x0, $0x0;
	v3 =	vor.u32 $0x80, v2;
	v5 =	vmul.f32 s5, v5;
	v6 =	vld.idx.msk [tilespmem:v6+s16+$0x0], $0xffff  }
0x1bf: {  	s6 =	simm.s32 @!p0 $0x3F800000;
	v10 =	vor.u32 $0x80, v4  }
0x1c0: {  	v7 =	vmul.f32 s6, v7;
	[tilespmem:s25+$0xFFFF9E50] =	vst v5  }
0x1c1: {  	v5 =	vmul.f32 s5, v9;
	v9 =	vor.u32 $0x100, v0;
	v8 =	vld.idx.msk [tilespmem:v8+s16+$0x0], $0xffff  }
0x1c2: {  	[tilespmem:s25+$0xFFFF9ED0] =	vst v7  }
0x1c3: {  	[tilespmem:s25+$0xFFFF9F50] =	vst v5;
	v3 =	vld.idx.msk [tilespmem:v3+s16+$0x0], $0xffff;
	v5 =	vmul.f32 s5, v6  }
0x1c4: {  	v7 =	vld.idx.msk [tilespmem:v10+s16+$0x0], $0xffff;
	v6 =	vor.u32 $0x100, v1  }
0x1c5: {  	[tilespmem:s25+$0xFFFFBFD0] =	vst v5  }
0x1c6: {  	v5 =	vor.u32 $0x100, v2;
	v8 =	vmul.f32 s5, v8;
	v9 =	vld.idx.msk [tilespmem:v9+s16+$0x0], $0xffff  }
0x1c7: {  	v10 =	vor.u32 $0x100, v4  }
0x1c8: {  	v3 =	vmul.f32 s6, v3;
	[tilespmem:s25+$0xFFFFBE50] =	vst v8  }
0x1c9: {  	v0 =	vor.u32 $0x180, v0;
	v7 =	vmul.f32 s5, v7;
	v6 =	vld.idx.msk [tilespmem:v6+s16+$0x0], $0xffff  }
0x1ca: {  	[tilespmem:s25+$0xFFFFBED0] =	vst v3  }
0x1cb: {  	[tilespmem:s25+$0xFFFFBF50] =	vst v7;
	v3 =	vld.idx.msk [tilespmem:v5+s16+$0x0], $0xffff;
	v5 =	vmul.f32 s5, v9  }
0x1cc: {  	v1 =	vor.u32 $0x180, v1;
	v7 =	vld.idx.msk [tilespmem:v10+s16+$0x0], $0xffff  }
0x1cd: {  	[tilespmem:s25+$0xFFFFDFD0] =	vst v5  }
0x1ce: {  	v2 =	vor.u32 $0x180, v2;
	v5 =	vmul.f32 s5, v6;
	v0 =	vld.idx.msk [tilespmem:v0+s16+$0x0], $0xffff  }
0x1cf: {  	v4 =	vor.u32 $0x180, v4  }
0x1d0: {  	v3 =	vmul.f32 s6, v3;
	[tilespmem:s25+$0xFFFFDE50] =	vst v5  }
0x1d1: {  	v5 =	vmul.f32 s5, v7;
	v1 =	vld.idx.msk [tilespmem:v1+s16+$0x0], $0xffff  }
0x1d2: {  	[tilespmem:s25+$0xFFFFDED0] =	vst v3  }
0x1d3: {  	[tilespmem:s25+$0xFFFFDF50] =	vst v5;
	v2 =	vld.idx.msk [tilespmem:v2+s16+$0x0], $0xffff;
	v0 =	vmul.f32 s5, v0  }
0x1d4: {  	s28 =	simm.s32 $0xC0;
	v3 =	vld.idx.msk [tilespmem:v4+s16+$0x0], $0xffff  }
0x1d5: {  	s21 =	sor.u32 $0x50, s28;
	[tilespmem:s25+$0xFFFFFFD0] =	vst v0  }
0x1d6: {  	v0 =	vmul.f32 s5, v1;
	v1 =	vld [tilespmem:s21+$0x0];
	_ =	sdelay $0x1  }
0x1d7: {  	v2 =	vmul.f32 s6, v2;
	[tilespmem:s25+$0xFFFFFE50] =	vst v0  }
0x1d8: {  	s20 =	simm.s32 $0x40;
	v0 =	vmul.f32 s5, v3;
	v3 =	vld [tilespmem:s1+$0xFFFFFF90]  }
0x1d9: {  	s22 =	sor.u32 $0x50, s20;
	[tilespmem:s25+$0xFFFFFED0] =	vst v2  }
0x1da: {  	[tilespmem:s25+$0xFFFFFF50] =	vst v0;
	v2 =	vld [tilespmem:s22+$0x0];
	v0 =	vshll.u32 v1, $0x2  }
0x1db: {  	v4 =	vld [tilespmem:s1+$0x10];
	v1 =	vand.u32 $0x7F, v1;
	v0 =	vand.u32 $0xFFFFFE00, v0  }
0x1dc: {  	v0 =	vor.u32 v1, v0  }
0x1dd: {  	v1 =	vshll.u32 v3, $0x2  }
0x1de: {  	v3 =	vand.u32 $0x7F, v3;
	v1 =	vand.u32 $0xFFFFFE00, v1  }
0x1df: {  	v1 =	vor.u32 v3, v1;
	v3 =	vshll.u32 v2, $0x2  }
0x1e0: {  	v2 =	vand.u32 $0x7F, v2;
	v5 =	vshll.u32 v4, $0x2;
	v3 =	vand.u32 $0xFFFFFE00, v3  }
0x1e1: {  	v4 =	vand.u32 $0x7F, v4;
	v2 =	vor.u32 v2, v3;
	v3 =	vand.u32 $0xFFFFFE00, v5;
	v5 =	vld.idx.msk [tilespmem:v0+s16+$0x0], $0xffff  }
0x1e2: {  	v3 =	vor.u32 v4, v3;
	_ =	sdelay $0x1  }
0x1e3: {  	v4 =	vor.u32 $0x80, v0;
	v6 =	vld.idx.msk [tilespmem:v1+s16+$0x0], $0xffff;
	_ =	sdelay $0x1  }
0x1e4: {  	v7 =	vld.idx.msk [tilespmem:v2+s16+$0x0], $0xffff;
	v5 =	vmul.f32 s5, v5  }
0x1e5: {  	v9 =	vor.u32 $0x80, v1;
	v8 =	vld.idx.msk [tilespmem:v3+s16+$0x0], $0xffff  }
0x1e6: {  	[tilespmem:s25+$0xFFFF9FE0] =	vst v5  }
0x1e7: {  	v5 =	vor.u32 $0x80, v2;
	v6 =	vmul.f32 s5, v6;
	v4 =	vld.idx.msk [tilespmem:v4+s16+$0x0], $0xffff  }
0x1e8: {  	v10 =	vor.u32 $0x80, v3  }
0x1e9: {  	v7 =	vmul.f32 s6, v7;
	[tilespmem:s25+$0xFFFF9E60] =	vst v6  }
0x1ea: {  	s0 =	simm.s32 $0x180;
	v6 =	vmul.f32 s5, v8;
	v8 =	vor.u32 $0x100, v0;
	v9 =	vld.idx.msk [tilespmem:v9+s16+$0x0], $0xffff  }
0x1eb: {  	[tilespmem:s25+$0xFFFF9EE0] =	vst v7;
	v7 =	vld [tilespmem:s0+$0x40]  }
0x1ec: {  	v5 =	vld.idx.msk [tilespmem:v5+s16+$0x0], $0xffff;
	[tilespmem:s25+$0xFFFF9F60] =	vst v6;
	v4 =	vmul.f32 s5, v4  }
0x1ed: {  	v6 =	vld.idx.msk [tilespmem:v10+s16+$0x0], $0xffff  }
0x1ee: {  	v10 =	vld [tilespmem:s0+$0xFFFFFFC0];
	[tilespmem:s25+$0xFFFFBFE0] =	vst v4  }
0x1ef: {  	v4 =	vld.idx.msk [tilespmem:v8+s16+$0x0], $0xffff  }
0x1f0: {  	v8 =	vld [tilespmem:s0+$0xFFFFFF80]  }
0x1f1: {  	v11 =	vor.u32 $0x100, v1;
	v12 =	vor.u32 $0x100, v2  }
0x1f2: {  	v14 =	vld [tilespmem:s0+$0x0];
	v13 =	vor.u32 $0x100, v3;
	v0 =	vor.u32 $0x180, v0;
	v15 =	vshll.u32 v7, $0x2  }
0x1f3: {  	v9 =	vmul.f32 s5, v9;
	v7 =	vand.u32 $0x7F, v7;
	v15 =	vand.u32 $0xFFFFFE00, v15  }
0x1f4: {  	v5 =	vmul.f32 s6, v5;
	v6 =	vmul.f32 s5, v6;
	v7 =	vor.u32 v7, v15  }
0x1f5: {  	v15 =	vshll.u32 v10, $0x2;
	v16 =	vshll.u32 v8, $0x2;
	v4 =	vmul.f32 s5, v4  }
0x1f6: {  	[tilespmem:s25+$0xFFFFBE60] =	vst v9;
	v15 =	vand.u32 $0xFFFFFE00, v15;
	v8 =	vand.u32 $0x7F, v8;
	v9 =	vand.u32 $0xFFFFFE00, v16  }
0x1f7: {  	v11 =	vld.idx.msk [tilespmem:v11+s16+$0x0], $0xffff;
	v16 =	vshll.u32 v14, $0x2;
	[tilespmem:s25+$0xFFFFDFE0] =	vst v4;
	v4 =	vand.u32 $0x7F, v10;
	v8 =	vor.u32 v8, v9  }
0x1f8: {  	[tilespmem:s25+$0xFFFFBEE0] =	vst v5;
	v5 =	vand.u32 $0x7F, v14;
	v9 =	vand.u32 $0xFFFFFE00, v16;
	v0 =	vld.idx.msk [tilespmem:v0+s16+$0x0], $0xffff;
	v4 =	vor.u32 v4, v15  }
0x1f9: {  	v10 =	vld.idx.msk [tilespmem:v12+s16+$0x0], $0xffff;
	v5 =	vor.u32 v5, v9  }
0x1fa: {  	v1 =	vor.u32 $0x180, v1;
	[tilespmem:s25+$0xFFFFBF60] =	vst v6;
	v6 =	vld.idx.msk [tilespmem:v7+s16+$0x0], $0xffff  }
0x1fb: {  	v9 =	vld.idx.msk [tilespmem:v13+s16+$0x0], $0xffff  }
0x1fc: {  	v2 =	vor.u32 $0x180, v2;
	v11 =	vmul.f32 s5, v11;
	v12 =	vld.idx.msk [tilespmem:v8+s16+$0x0], $0xffff  }
0x1fd: {  	s9 =	simm.f32 $2.000000000e+00;
	p0 =	por $0x0, $0x0;
	v0 =	vmul.f32 s5, v0;
	v13 =	vld.idx.msk [tilespmem:v4+s16+$0x0], $0xffff  }
0x1fe: {  	s9 =	simm.s32 @!p0 $0x3F800000;
	v14 =	vor.u32 $0x80, v7;
	[tilespmem:s25+$0xFFFFDE60] =	vst v11;
	v10 =	vmul.f32 s6, v10;
	v11 =	vld.idx.msk [tilespmem:v5+s16+$0x0], $0xffff  }
0x1ff: {  	s26 =	sor.u32 $0x60, s28;
	v3 =	vor.u32 $0x180, v3;
	v1 =	vld.idx.msk [tilespmem:v1+s16+$0x0], $0xffff;
	[tilespmem:s25+$0xFFFFFFE0] =	vst v0;
	v0 =	vmul.f32 s9, v6  }
0x200: {  	s11 =	simm.f32 $2.000000000e+00;
	p0 =	por $0x0, $0x0;
	v15 =	vor.u32 $0x80, v8;
	v9 =	vmul.f32 s5, v9;
	[tilespmem:s25+$0xFFFFDEE0] =	vst v10;
	v10 =	vld [tilespmem:s26+$0x0];
	s26 =	simm.s32 $0x137B0  }
0x201: {  	s11 =	simm.s32 @!p0 $0x3F800000;
	v6 =	vor.u32 $0x80, v4;
	[tilespmem:s26+$0xFFFF9FD0] =	vst v0;
	v0 =	vld.idx.msk [tilespmem:v2+s16+$0x0], $0xffff;
	v2 =	vmul.f32 s9, v12  }
0x202: {  	[tilespmem:s25+$0xFFFFDF60] =	vst v9;
	v9 =	vmul.f32 s11, v13  }
0x203: {  	v16 =	vor.u32 $0x80, v5;
	v12 =	vld.idx.msk [tilespmem:v14+s16+$0x0], $0xffff;
	[tilespmem:s26+$0xFFFF9E50] =	vst v2;
	v2 =	vmul.f32 s9, v11  }
0x204: {  	v1 =	vmul.f32 s5, v1;
	v3 =	vld.idx.msk [tilespmem:v3+s16+$0x0], $0xffff;
	[tilespmem:s26+$0xFFFF9ED0] =	vst v9  }
0x205: {  	v11 =	vld.idx.msk [tilespmem:v15+s16+$0x0], $0xffff;
	v9 =	vshll.u32 v10, $0x2;
	[tilespmem:s26+$0xFFFF9F50] =	vst v2;
	v2 =	vor.u32 $0x100, v7  }
0x206: {  	[tilespmem:s25+$0xFFFFFE60] =	vst v1;
	v6 =	vld.idx.msk [tilespmem:v6+s16+$0x0], $0xffff;
	v10 =	vand.u32 $0x7F, v10;
	v9 =	vand.u32 $0xFFFFFE00, v9;
	v0 =	vmul.f32 s6, v0  }
0x207: {  	v1 =	vor.u32 v10, v9;
	v9 =	vld [tilespmem:s1+$0xFFFFFFA0]  }
0x208: {  	s17 =	sor.u32 $0x60, s20;
	v13 =	vld.idx.msk [tilespmem:v16+s16+$0x0], $0xffff;
	v10 =	vmul.f32 s9, v12;
	[tilespmem:s25+$0xFFFFFEE0] =	vst v0  }
0x209: {  	v0 =	vor.u32 $0x100, v8;
	v12 =	vld [tilespmem:s17+$0x0]  }
0x20a: {  	v14 =	vor.u32 $0x100, v4;
	v3 =	vmul.f32 s5, v3;
	[tilespmem:s26+$0xFFFFBFD0] =	vst v10  }
0x20b: {  	v10 =	vor.u32 $0x100, v5;
	v11 =	vmul.f32 s9, v11;
	v2 =	vld.idx.msk [tilespmem:v2+s16+$0x0], $0xffff  }
0x20c: {  	[tilespmem:s25+$0xFFFFFF60] =	vst v3;
	v16 =	vor.u32 $0x80, v1;
	v3 =	vmul.f32 s11, v6;
	v6 =	vld.idx.msk [tilespmem:v1+s16+$0x0], $0xffff;
	v15 =	vshll.u32 v9, $0x2  }
0x20d: {  	v13 =	vmul.f32 s9, v13;
	[tilespmem:s26+$0xFFFFBE50] =	vst v11;
	v11 =	vld [tilespmem:s1+$0x20];
	v9 =	vand.u32 $0x7F, v9;
	v15 =	vand.u32 $0xFFFFFE00, v15  }
0x20e: {  	v7 =	vor.u32 $0x180, v7;
	[tilespmem:s26+$0xFFFFBED0] =	vst v3;
	v0 =	vld.idx.msk [tilespmem:v0+s16+$0x0], $0xffff;
	v3 =	vor.u32 v9, v15;
	v9 =	vshll.u32 v12, $0x2  }
0x20f: {  	v14 =	vld.idx.msk [tilespmem:v14+s16+$0x0], $0xffff;
	[tilespmem:s26+$0xFFFFBF50] =	vst v13;
	v12 =	vand.u32 $0x7F, v12;
	v9 =	vand.u32 $0xFFFFFE00, v9  }
0x210: {  	v10 =	vld.idx.msk [tilespmem:v10+s16+$0x0], $0xffff;
	v2 =	vmul.f32 s9, v2;
	v9 =	vor.u32 v12, v9  }
0x211: {  	v8 =	vor.u32 $0x180, v8;
	[tilespmem:s25+$0xFFFF9FF0] =	vst v6  }
0x212: {  	v4 =	vor.u32 $0x180, v4;
	v5 =	vor.u32 $0x180, v5;
	[tilespmem:s26+$0xFFFFDFD0] =	vst v2;
	v6 =	vld.idx.msk [tilespmem:v16+s16+$0x0], $0xffff  }
0x213: {  	v12 =	vand.u32 $0x7F, v11;
	v11 =	vshll.u32 v11, $0x2;
	v0 =	vmul.f32 s9, v0;
	v7 =	vld.idx.msk [tilespmem:v7+s16+$0x0], $0xffff  }
0x214: {  	v11 =	vand.u32 $0xFFFFFE00, v11;
	v13 =	vmul.f32 s11, v14;
	v14 =	vor.u32 $0x100, v1;
	v2 =	vld.idx.msk [tilespmem:v3+s16+$0x0], $0xffff  }
0x215: {  	v11 =	vor.u32 v12, v11;
	[tilespmem:s26+$0xFFFFDE50] =	vst v0;
	v0 =	vmul.f32 s9, v10;
	v10 =	vld.idx.msk [tilespmem:v9+s16+$0x0], $0xffff  }
0x216: {  	v12 =	vor.u32 $0x80, v3;
	[tilespmem:s26+$0xFFFFDED0] =	vst v13;
	v8 =	vld.idx.msk [tilespmem:v8+s16+$0x0], $0xffff  }
0x217: {  	v4 =	vld.idx.msk [tilespmem:v4+s16+$0x0], $0xffff;
	[tilespmem:s26+$0xFFFFDF50] =	vst v0  }
0x218: {  	v0 =	vor.u32 $0x80, v9;
	v5 =	vld.idx.msk [tilespmem:v5+s16+$0x0], $0xffff;
	[tilespmem:s25+$0xFFFFBFF0] =	vst v6  }
0x219: {  	v7 =	vmul.f32 s9, v7;
	v6 =	vld.idx.msk [tilespmem:v14+s16+$0x0], $0xffff  }
0x21a: {  	s6 =	simm.s32 $0x1C0;
	v1 =	vor.u32 $0x180, v1;
	[tilespmem:s25+$0xFFFF9E70] =	vst v2;
	v2 =	vld.idx.msk [tilespmem:v11+s16+$0x0], $0xffff  }
0x21b: {  	s21 =	sor.u32 $0x50, s6;
	v12 =	vld.idx.msk [tilespmem:v12+s16+$0x0], $0xffff;
	[tilespmem:s26+$0xFFFFFFD0] =	vst v7;
	v8 =	vmul.f32 s9, v8  }
0x21c: {  	[tilespmem:s25+$0xFFFF9EF0] =	vst v10;
	v7 =	vld [tilespmem:s21+$0x0]  }
0x21d: {  	v4 =	vmul.f32 s11, v4;
	v0 =	vld.idx.msk [tilespmem:v0+s16+$0x0], $0xffff;
	[tilespmem:s26+$0xFFFFFE50] =	vst v8  }
0x21e: {  	s5 =	simm.s32 $0x140;
	v8 =	vor.u32 $0x80, v11;
	v5 =	vmul.f32 s9, v5;
	v10 =	vld [tilespmem:s0+$0xFFFFFF90];
	[tilespmem:s25+$0xFFFFDFF0] =	vst v6  }
0x21f: {  	s22 =	sor.u32 $0x50, s5;
	[tilespmem:s26+$0xFFFFFED0] =	vst v4;
	v6 =	vor.u32 $0x100, v3;
	v1 =	vld.idx.msk [tilespmem:v1+s16+$0x0], $0xffff  }
0x220: {  	v4 =	vld [tilespmem:s22+$0x0];
	[tilespmem:s26+$0xFFFFFF50] =	vst v5  }
0x221: {  	v5 =	vld [tilespmem:s0+$0x10];
	v13 =	vshll.u32 v7, $0x2  }
0x222: {  	v14 =	vor.u32 $0x100, v9;
	[tilespmem:s25+$0xFFFF9F70] =	vst v2;
	v2 =	vand.u32 $0x7F, v7;
	v7 =	vand.u32 $0xFFFFFE00, v13  }
0x223: {  	[tilespmem:s25+$0xFFFFBE70] =	vst v12;
	v8 =	vld.idx.msk [tilespmem:v8+s16+$0x0], $0xffff;
	v7 =	vor.u32 v2, v7;
	v12 =	vshll.u32 v10, $0x2  }
0x224: {  	s17 =	sor.u32 $0x70, s28;
	v2 =	vor.u32 $0x100, v11;
	v10 =	vand.u32 $0x7F, v10;
	v6 =	vld.idx.msk [tilespmem:v6+s16+$0x0], $0xffff;
	v12 =	vand.u32 $0xFFFFFE00, v12;
	[tilespmem:s25+$0xFFFFFFF0] =	vst v1  }
0x225: {  	s28 =	simm.s32 $0x280;
	v1 =	vor.u32 $0x180, v3;
	v3 =	vor.u32 v10, v12;
	v10 =	vshll.u32 v4, $0x2;
	v12 =	vld [tilespmem:s17+$0x0]  }
0x226: {  	v18 =	vld [tilespmem:s28+$0x40];
	[tilespmem:s25+$0xFFFFBEF0] =	vst v0;
	v0 =	vand.u32 $0x7F, v4;
	v4 =	vand.u32 $0xFFFFFE00, v10;
	v10 =	vshll.u32 v5, $0x2  }
0x227: {  	v13 =	vld.idx.msk [tilespmem:v14+s16+$0x0], $0xffff;
	v5 =	vand.u32 $0x7F, v5;
	v14 =	vor.u32 v0, v4;
	v0 =	vand.u32 $0xFFFFFE00, v10  }
0x228: {  	[tilespmem:s25+$0xFFFFBF70] =	vst v8;
	v4 =	vor.u32 $0x180, v9;
	v5 =	vor.u32 v5, v0;
	v0 =	vld.idx.msk [tilespmem:v7+s16+$0x0], $0xffff  }
0x229: {  	v2 =	vld.idx.msk [tilespmem:v2+s16+$0x0], $0xffff  }
0x22a: {  	v8 =	vor.u32 $0x180, v11;
	[tilespmem:s25+$0xFFFFDE70] =	vst v6;
	v6 =	vld.idx.msk [tilespmem:v3+s16+$0x0], $0xffff;
	v9 =	vshll.u32 v12, $0x2  }
0x22b: {  	v10 =	vor.u32 $0x80, v7;
	v1 =	vld.idx.msk [tilespmem:v1+s16+$0x0], $0xffff;
	v11 =	vand.u32 $0x7F, v12;
	v9 =	vand.u32 $0xFFFFFE00, v9  }
0x22c: {  	[tilespmem:s25+$0xFFFFDEF0] =	vst v13;
	v12 =	vld.idx.msk [tilespmem:v14+s16+$0x0], $0xffff;
	v9 =	vor.u32 v11, v9  }
0x22d: {  	v11 =	vor.u32 $0x80, v3;
	v4 =	vld.idx.msk [tilespmem:v4+s16+$0x0], $0xffff;
	v0 =	vmul.f32 s9, v0  }
0x22e: {  	v13 =	vld.idx.msk [tilespmem:v5+s16+$0x0], $0xffff;
	[tilespmem:s25+$0xFFFFDF70] =	vst v2  }
0x22f: {  	v6 =	vmul.f32 s9, v6;
	[tilespmem:s26+$0xFFFF9FE0] =	vst v0;
	v0 =	vld.idx.msk [tilespmem:v8+s16+$0x0], $0xffff  }
0x230: {  	v2 =	vor.u32 $0x80, v14;
	[tilespmem:s25+$0xFFFFFE70] =	vst v1;
	v10 =	vld.idx.msk [tilespmem:v10+s16+$0x0], $0xffff  }
0x231: {  	v8 =	vor.u32 $0x80, v5;
	[tilespmem:s26+$0xFFFF9E60] =	vst v6;
	v6 =	vmul.f32 s11, v12;
	v12 =	vld.idx.msk [tilespmem:v9+s16+$0x0], $0xffff  }
0x232: {  	[tilespmem:s25+$0xFFFFFEF0] =	vst v4;
	v1 =	vld.idx.msk [tilespmem:v11+s16+$0x0], $0xffff  }
0x233: {  	s21 =	sor.u32 $0x70, s20;
	v11 =	vmul.f32 s9, v13;
	v13 =	vor.u32 $0x80, v9;
	[tilespmem:s26+$0xFFFF9EE0] =	vst v6;
	v6 =	vld [tilespmem:s1+$0xFFFFFFB0]  }
0x234: {  	v4 =	vld [tilespmem:s21+$0x0]  }
0x235: {  	v2 =	vld.idx.msk [tilespmem:v2+s16+$0x0], $0xffff;
	[tilespmem:s26+$0xFFFF9F60] =	vst v11;
	v11 =	vor.u32 $0x100, v7  }
0x236: {  	[tilespmem:s25+$0xFFFFFF70] =	vst v0;
	v8 =	vld.idx.msk [tilespmem:v8+s16+$0x0], $0xffff  }
0x237: {  	v15 =	vor.u32 $0x100, v14;
	v16 =	vor.u32 $0x100, v5;
	v0 =	vmul.f32 s9, v10;
	v10 =	vld [tilespmem:s1+$0x30];
	[tilespmem:s25+$0xFFFFA000] =	vst v12  }
0x238: {  	v7 =	vor.u32 $0x180, v7;
	v12 =	vor.u32 $0x100, v3;
	v13 =	vld.idx.msk [tilespmem:v13+s16+$0x0], $0xffff;
	v17 =	vshll.u32 v6, $0x2  }
0x239: {  	v20 =	vld [tilespmem:s28+$0xFFFFFFC0];
	[tilespmem:s26+$0xFFFFBFE0] =	vst v0;
	v1 =	vmul.f32 s9, v1;
	v0 =	vand.u32 $0x7F, v6;
	v6 =	vand.u32 $0xFFFFFE00, v17  }
0x23a: {  	v11 =	vld.idx.msk [tilespmem:v11+s16+$0x0], $0xffff;
	v17 =	vor.u32 $0x100, v9;
	v19 =	vmul.f32 s11, v2;
	v2 =	vor.u32 v0, v6  }
0x23b: {  	v21 =	vld [tilespmem:s28+$0x0];
	[tilespmem:s26+$0xFFFFBE60] =	vst v1;
	v0 =	vmul.f32 s9, v8;
	v8 =	vand.u32 $0x7F, v4;
	v4 =	vshll.u32 v4, $0x2  }
0x23c: {  	v6 =	vld [tilespmem:s28+$0xFFFFFF80];
	v1 =	vand.u32 $0xFFFFFE00, v4;
	v4 =	vand.u32 $0x7F, v10;
	v10 =	vshll.u32 v10, $0x2;
	[tilespmem:s26+$0xFFFFBEE0] =	vst v19  }
0x23d: {  	v12 =	vld.idx.msk [tilespmem:v12+s16+$0x0], $0xffff;
	v1 =	vor.u32 v8, v1;
	v8 =	vshll.u32 v18, $0x2;
	[tilespmem:s25+$0xFFFFC000] =	vst v13;
	v10 =	vand.u32 $0xFFFFFE00, v10  }
0x23e: {  	v13 =	vand.u32 $0x7F, v18;
	[tilespmem:s26+$0xFFFFBF60] =	vst v0;
	v8 =	vand.u32 $0xFFFFFE00, v8;
	v0 =	vor.u32 v4, v10;
	v10 =	vld.idx.msk [tilespmem:v15+s16+$0x0], $0xffff  }
0x23f: {  	v3 =	vor.u32 $0x180, v3;
	v15 =	vld.idx.msk [tilespmem:v16+s16+$0x0], $0xffff;
	v8 =	vor.u32 v13, v8;
	v4 =	vmul.f32 s9, v11  }
0x240: {  	v9 =	vor.u32 $0x180, v9;
	v18 =	vand.u32 $0x7F, v20;
	v17 =	vld.idx.msk [tilespmem:v17+s16+$0x0], $0xffff;
	v13 =	vshll.u32 v20, $0x2  }
0x241: {  	v11 =	vshll.u32 v6, $0x2;
	v6 =	vand.u32 $0x7F, v6;
	v13 =	vand.u32 $0xFFFFFE00, v13;
	v16 =	vld.idx.msk [tilespmem:v2+s16+$0x0], $0xffff;
	[tilespmem:s26+$0xFFFFDFE0] =	vst v4  }
0x242: {  	v11 =	vand.u32 $0xFFFFFE00, v11;
	v13 =	vor.u32 v18, v13;
	v12 =	vmul.f32 s9, v12;
	v7 =	vld.idx.msk [tilespmem:v7+s16+$0x0], $0xffff  }
0x243: {  	v4 =	vshll.u32 v21, $0x2;
	v6 =	vor.u32 v6, v11;
	v18 =	vld.idx.msk [tilespmem:v1+s16+$0x0], $0xffff  }
0x244: {  	v11 =	vand.u32 $0x7F, v21;
	v4 =	vand.u32 $0xFFFFFE00, v4;
	[tilespmem:s26+$0xFFFFDE60] =	vst v12;
	v19 =	vld.idx.msk [tilespmem:v8+s16+$0x0], $0xffff  }
0x245: {  	v11 =	vor.u32 v11, v4;
	[tilespmem:s25+$0xFFFFE000] =	vst v17;
	v3 =	vld.idx.msk [tilespmem:v3+s16+$0x0], $0xffff  }
0x246: {  	v5 =	vor.u32 $0x180, v5;
	v4 =	vld.idx.msk [tilespmem:v9+s16+$0x0], $0xffff  }
0x247: {  	v10 =	vmul.f32 s11, v10;
	v20 =	vld.idx.msk [tilespmem:v13+s16+$0x0], $0xffff  }
0x248: {  	v14 =	vor.u32 $0x180, v14;
	v15 =	vmul.f32 s9, v15;
	v17 =	vld.idx.msk [tilespmem:v6+s16+$0x0], $0xffff  }
0x249: {  	s29 =	simm.f32 $2.000000000e+00;
	p0 =	por $0x0, $0x0;
	v55 =	vor.u32 $0x80, v8;
	v9 =	vld.idx.msk [tilespmem:v0+s16+$0x0], $0xffff;
	[tilespmem:s26+$0xFFFFDEE0] =	vst v10;
	v7 =	vmul.f32 s9, v7  }
0x24a: {  	s31 =	simm.f32 $2.000000000e+00;
	s29 =	simm.s32 @!p0 $0x3F800000;
	p0 =	por $0x0, $0x0;
	v22 =	vor.u32 $0x80, v2;
	[tilespmem:s26+$0xFFFFDF60] =	vst v15;
	v12 =	vld.idx.msk [tilespmem:v11+s16+$0x0], $0xffff  }
0x24b: {  	s31 =	simm.s32 @!p0 $0x3F800000;
	s22 =	sor.u32 $0x60, s6;
	v23 =	vor.u32 $0x80, v13;
	v5 =	vld.idx.msk [tilespmem:v5+s16+$0x0], $0xffff;
	[tilespmem:s26+$0xFFFFFFE0] =	vst v7;
	v7 =	vmul.f32 s29, v19  }
0x24c: {  	s30 =	simm.s32 $0x139B0;
	[tilespmem:s25+$0xFFFF9E80] =	vst v16;
	v19 =	vor.u32 $0x80, v6;
	v10 =	vld [tilespmem:s22+$0x0];
	v15 =	vmul.f32 s31, v20  }
0x24d: {  	[tilespmem:s30+$0xFFFF9FD0] =	vst v7;
	v7 =	vld.idx.msk [tilespmem:v14+s16+$0x0], $0xffff;
	v14 =	vor.u32 $0x80, v11;
	v17 =	vmul.f32 s29, v17  }
0x24e: {  	v21 =	vld.idx.msk [tilespmem:v55+s16+$0x0], $0xffff;
	[tilespmem:s30+$0xFFFF9ED0] =	vst v15  }
0x24f: {  	v16 =	vor.u32 $0x80, v1;
	v12 =	vmul.f32 s29, v12;
	[tilespmem:s30+$0xFFFF9E50] =	vst v17;
	v17 =	vld.idx.msk [tilespmem:v22+s16+$0x0], $0xffff  }
0x250: {  	[tilespmem:s25+$0xFFFF9F00] =	vst v18;
	v3 =	vmul.f32 s9, v3;
	v20 =	vld.idx.msk [tilespmem:v23+s16+$0x0], $0xffff  }
0x251: {  	v5 =	vmul.f32 s9, v5;
	v19 =	vld.idx.msk [tilespmem:v19+s16+$0x0], $0xffff;
	v15 =	vshll.u32 v10, $0x2;
	[tilespmem:s30+$0xFFFF9F50] =	vst v12;
	v12 =	vor.u32 $0x100, v8  }
0x252: {  	[tilespmem:s26+$0xFFFFFE60] =	vst v3;
	v10 =	vand.u32 $0x7F, v10;
	v15 =	vand.u32 $0xFFFFFE00, v15;
	v14 =	vld.idx.msk [tilespmem:v14+s16+$0x0], $0xffff;
	v3 =	vmul.f32 s11, v7  }
0x253: {  	[tilespmem:s26+$0xFFFFFF60] =	vst v5;
	v7 =	vor.u32 v10, v15;
	v10 =	vmul.f32 s29, v21;
	v15 =	vld [tilespmem:s0+$0xFFFFFFA0]  }
0x254: {  	s2 =	sor.u32 $0x60, s5;
	v18 =	vor.u32 $0x100, v6;
	[tilespmem:s26+$0xFFFFFEE0] =	vst v3;
	v3 =	vld.idx.msk [tilespmem:v16+s16+$0x0], $0xffff  }
0x255: {  	v16 =	vor.u32 $0x100, v13;
	[tilespmem:s30+$0xFFFFBFD0] =	vst v10;
	v10 =	vld [tilespmem:s2+$0x0]  }
0x256: {  	v56 =	vor.u32 $0x100, v11;
	v24 =	vld [tilespmem:s0+$0x20];
	v19 =	vmul.f32 s29, v19  }
0x257: {  	v58 =	vor.u32 $0x100, v2;
	[tilespmem:s25+$0xFFFF9F80] =	vst v9;
	v5 =	vmul.f32 s31, v20;
	v12 =	vld.idx.msk [tilespmem:v12+s16+$0x0], $0xffff  }
0x258: {  	v57 =	vor.u32 $0x80, v0;
	v14 =	vmul.f32 s29, v14;
	v20 =	vld.idx.msk [tilespmem:v7+s16+$0x0], $0xffff;
	[tilespmem:s30+$0xFFFFBE50] =	vst v19;
	v19 =	vshll.u32 v15, $0x2  }
0x259: {  	[tilespmem:s30+$0xFFFFBED0] =	vst v5;
	v18 =	vld.idx.msk [tilespmem:v18+s16+$0x0], $0xffff;
	v5 =	vand.u32 $0xFFFFFE00, v19;
	v19 =	vor.u32 $0x80, v7  }
0x25a: {  	v8 =	vor.u32 $0x180, v8;
	v15 =	vand.u32 $0x7F, v15;
	v16 =	vld.idx.msk [tilespmem:v16+s16+$0x0], $0xffff;
	[tilespmem:s30+$0xFFFFBF50] =	vst v14;
	v14 =	vshll.u32 v10, $0x2  }
0x25b: {  	[tilespmem:s25+$0xFFFFBE80] =	vst v17;
	v5 =	vor.u32 v15, v5;
	v9 =	vand.u32 $0x7F, v10;
	v10 =	vld.idx.msk [tilespmem:v56+s16+$0x0], $0xffff;
	v14 =	vand.u32 $0xFFFFFE00, v14  }
0x25c: {  	v15 =	vld.idx.msk [tilespmem:v58+s16+$0x0], $0xffff;
	v12 =	vmul.f32 s29, v12;
	v9 =	vor.u32 v9, v14  }
0x25d: {  	v6 =	vor.u32 $0x180, v6;
	v14 =	vld.idx.msk [tilespmem:v57+s16+$0x0], $0xffff;
	[tilespmem:s26+$0xFFFF9FF0] =	vst v20  }
0x25e: {  	v11 =	vor.u32 $0x180, v11;
	v13 =	vor.u32 $0x180, v13;
	[tilespmem:s30+$0xFFFFDFD0] =	vst v12;
	v17 =	vld.idx.msk [tilespmem:v19+s16+$0x0], $0xffff  }
0x25f: {  	v59 =	vor.u32 $0x100, v7;
	v20 =	vshll.u32 v24, $0x2;
	v18 =	vmul.f32 s29, v18;
	v8 =	vld.idx.msk [tilespmem:v8+s16+$0x0], $0xffff  }
0x260: {  	v19 =	vand.u32 $0x7F, v24;
	v20 =	vand.u32 $0xFFFFFE00, v20;
	v16 =	vmul.f32 s31, v16;
	v12 =	vld.idx.msk [tilespmem:v5+s16+$0x0], $0xffff  }
0x261: {  	v19 =	vor.u32 v19, v20;
	v10 =	vmul.f32 s29, v10;
	[tilespmem:s30+$0xFFFFDE50] =	vst v18;
	v18 =	vld.idx.msk [tilespmem:v9+s16+$0x0], $0xffff  }
0x262: {  	v20 =	vor.u32 $0x80, v5;
	[tilespmem:s30+$0xFFFFDED0] =	vst v16;
	v6 =	vld.idx.msk [tilespmem:v6+s16+$0x0], $0xffff  }
0x263: {  	v13 =	vld.idx.msk [tilespmem:v13+s16+$0x0], $0xffff;
	[tilespmem:s30+$0xFFFFDF50] =	vst v10  }
0x264: {  	v16 =	vor.u32 $0x80, v9;
	v10 =	vld.idx.msk [tilespmem:v11+s16+$0x0], $0xffff;
	[tilespmem:s26+$0xFFFFBFF0] =	vst v17  }
0x265: {  	[tilespmem:s25+$0xFFFFBF00] =	vst v3;
	v11 =	vor.u32 $0x100, v1;
	v8 =	vmul.f32 s29, v8;
	v17 =	vld.idx.msk [tilespmem:v59+s16+$0x0], $0xffff  }
0x266: {  	s1 =	simm.s32 $0x2C0;
	[tilespmem:s26+$0xFFFF9E70] =	vst v12;
	v12 =	vld.idx.msk [tilespmem:v19+s16+$0x0], $0xffff  }
0x267: {  	s11 =	sor.u32 $0x50, s1;
	v20 =	vld.idx.msk [tilespmem:v20+s16+$0x0], $0xffff;
	[tilespmem:s30+$0xFFFFFFD0] =	vst v8  }
0x268: {  	v7 =	vor.u32 $0x180, v7;
	[tilespmem:s26+$0xFFFF9EF0] =	vst v18;
	v6 =	vmul.f32 s29, v6;
	v3 =	vld [tilespmem:s11+$0x0]  }
0x269: {  	[tilespmem:s25+$0xFFFFDE80] =	vst v15;
	v13 =	vmul.f32 s31, v13;
	v8 =	vld.idx.msk [tilespmem:v16+s16+$0x0], $0xffff  }
0x26a: {  	s17 =	simm.s32 $0x240;
	v16 =	vor.u32 $0x80, v19;
	[tilespmem:s30+$0xFFFFFE50] =	vst v6;
	v6 =	vld.idx.msk [tilespmem:v11+s16+$0x0], $0xffff  }
0x26b: {  	s20 =	sor.u32 $0x50, s17;
	v2 =	vor.u32 $0x180, v2;
	v10 =	vmul.f32 s29, v10;
	[tilespmem:s30+$0xFFFFFED0] =	vst v13;
	v18 =	vld [tilespmem:s28+$0xFFFFFF90]  }
0x26c: {  	v11 =	vor.u32 $0x100, v5;
	[tilespmem:s26+$0xFFFFDFF0] =	vst v17;
	v60 =	vld [tilespmem:s20+$0x0]  }
0x26d: {  	v17 =	vor.u32 $0x100, v9;
	[tilespmem:s30+$0xFFFFFF50] =	vst v10;
	v7 =	vld.idx.msk [tilespmem:v7+s16+$0x0], $0xffff  }
0x26e: {  	v13 =	vor.u32 $0x100, v0;
	[tilespmem:s26+$0xFFFF9F70] =	vst v12;
	v10 =	vld [tilespmem:s28+$0x10]  }
0x26f: {  	[tilespmem:s26+$0xFFFFBE70] =	vst v20;
	v61 =	vshll.u32 v3, $0x2;
	v16 =	vld.idx.msk [tilespmem:v16+s16+$0x0], $0xffff  }
0x270: {  	v2 =	vld.idx.msk [tilespmem:v2+s16+$0x0], $0xffff;
	v3 =	vand.u32 $0x7F, v3;
	v12 =	vand.u32 $0xFFFFFE00, v61;
	[tilespmem:s26+$0xFFFFBEF0] =	vst v8;
	v8 =	vor.u32 $0x100, v19  }
0x271: {  	v3 =	vor.u32 v3, v12;
	v11 =	vld.idx.msk [tilespmem:v11+s16+$0x0], $0xffff;
	v20 =	vshll.u32 v18, $0x2  }
0x272: {  	[tilespmem:s25+$0xFFFFBF80] =	vst v14;
	v5 =	vor.u32 $0x180, v5;
	v12 =	vand.u32 $0x7F, v18;
	v17 =	vld.idx.msk [tilespmem:v17+s16+$0x0], $0xffff;
	v14 =	vand.u32 $0xFFFFFE00, v20  }
0x273: {  	s21 =	sor.u32 $0x70, s6;
	v9 =	vor.u32 $0x180, v9;
	[tilespmem:s26+$0xFFFFFFF0] =	vst v7;
	v7 =	vld.idx.msk [tilespmem:v13+s16+$0x0], $0xffff;
	v12 =	vor.u32 v12, v14;
	v14 =	vshll.u32 v60, $0x2  }
0x274: {  	v13 =	vand.u32 $0x7F, v60;
	v15 =	vshll.u32 v10, $0x2;
	v18 =	vld [tilespmem:s21+$0x0];
	v14 =	vand.u32 $0xFFFFFE00, v14;
	[tilespmem:s26+$0xFFFFBF70] =	vst v16  }
0x275: {  	v10 =	vand.u32 $0x7F, v10;
	v13 =	vor.u32 v13, v14;
	v14 =	vand.u32 $0xFFFFFE00, v15;
	v8 =	vld.idx.msk [tilespmem:v8+s16+$0x0], $0xffff  }
0x276: {  	[tilespmem:s26+$0xFFFFDE70] =	vst v11;
	v20 =	vor.u32 v10, v14;
	v10 =	vld.idx.msk [tilespmem:v3+s16+$0x0], $0xffff  }
0x277: {  	v14 =	vor.u32 $0x180, v1;
	v5 =	vld.idx.msk [tilespmem:v5+s16+$0x0], $0xffff;
	[tilespmem:s26+$0xFFFFDEF0] =	vst v17  }
0x278: {  	[tilespmem:s25+$0x0] =	vst v4;
	v4 =	vor.u32 $0x180, v19;
	v9 =	vld.idx.msk [tilespmem:v9+s16+$0x0], $0xffff  }
0x279: {  	v11 =	vld.idx.msk [tilespmem:v12+s16+$0x0], $0xffff;
	v1 =	vshll.u32 v18, $0x2  }
0x27a: {  	[tilespmem:s25+$0xFFFFDF00] =	vst v6;
	v15 =	vor.u32 $0x80, v3;
	v16 =	vand.u32 $0x7F, v18;
	v1 =	vand.u32 $0xFFFFFE00, v1;
	v6 =	vld.idx.msk [tilespmem:v13+s16+$0x0], $0xffff  }
0x27b: {  	[tilespmem:s25+$0xFFFFDF80] =	vst v7;
	v1 =	vor.u32 v16, v1;
	v17 =	vld.idx.msk [tilespmem:v20+s16+$0x0], $0xffff  }
0x27c: {  	v16 =	vor.u32 $0x80, v12;
	[tilespmem:s26+$0xFFFFDF70] =	vst v8;
	v7 =	vmul.f32 s29, v10;
	v19 =	vld.idx.msk [tilespmem:v14+s16+$0x0], $0xffff  }
0x27d: {  	v4 =	vld.idx.msk [tilespmem:v4+s16+$0x0], $0xffff;
	[tilespmem:s26+$0xFFFFFE70] =	vst v5  }
0x27e: {  	v8 =	vor.u32 $0x80, v13;
	v62 =	vld [tilespmem:s0+$0xFFFFFFB0];
	v10 =	vmul.f32 s29, v11;
	[tilespmem:s30+$0xFFFF9FE0] =	vst v7  }
0x27f: {  	[tilespmem:s25+$0xFFFFFE80] =	vst v2;
	v7 =	vor.u32 $0x80, v20;
	v2 =	vld.idx.msk [tilespmem:v15+s16+$0x0], $0xffff  }
0x280: {  	[tilespmem:s30+$0xFFFF9E60] =	vst v10;
	v6 =	vmul.f32 s31, v6;
	v11 =	vld.idx.msk [tilespmem:v1+s16+$0x0], $0xffff  }
0x281: {  	s22 =	sor.u32 $0x70, s5;
	v63 =	vor.u32 $0x80, v1;
	[tilespmem:s26+$0xFFFFFEF0] =	vst v9;
	v18 =	vld.idx.msk [tilespmem:v16+s16+$0x0], $0xffff;
	v5 =	vmul.f32 s29, v17  }
0x282: {  	v9 =	vld [tilespmem:s22+$0x0];
	[tilespmem:s30+$0xFFFF9EE0] =	vst v6  }
0x283: {  	v0 =	vor.u32 $0x180, v0;
	v10 =	vor.u32 $0x100, v12;
	v16 =	vor.u32 $0x100, v3;
	v14 =	vld.idx.msk [tilespmem:v8+s16+$0x0], $0xffff;
	[tilespmem:s30+$0xFFFF9F60] =	vst v5  }
0x284: {  	[tilespmem:s26+$0xFFFFFF70] =	vst v4;
	v4 =	vor.u32 $0x180, v20;
	v6 =	vor.u32 $0x180, v12;
	v12 =	vand.u32 $0x7F, v62;
	v15 =	vld.idx.msk [tilespmem:v7+s16+$0x0], $0xffff  }
0x285: {  	s6 =	simm.s32 $0x2C0;
	s5 =	sor.u32 $0x70, s17;
	s9 =	simm.s32 $0x8;
	v8 =	vor.u32 $0x100, v13;
	v5 =	vor.u32 $0x180, v13;
	v17 =	vmul.f32 s29, v2;
	v2 =	vld [tilespmem:s0+$0x30];
	[tilespmem:s26+$0xFFFFA000] =	vst v11  }
0x286: {  	s11 =	simm.s32 $0x380;
	s20 =	sor.u32 $0x60, s17;
	[tilespmem:s25+$0xFFFFFF00] =	vst v19;
	v13 =	vshll.u32 v62, $0x2;
	v7 =	vor.u32 $0x100, v20;
	s0 =	simm.s32 $0x139B0;
	v18 =	vmul.f32 s29, v18;
	v11 =	vld.idx.msk [tilespmem:v63+s16+$0x0], $0xffff  }
.LBB2_5:
0x287: {  	v19 =	vld [tilespmem:s11+$0x40];
	[tilespmem:s30+$0xFFFFBFE0] =	vst v17;
	v13 =	vand.u32 $0xFFFFFE00, v13  }
0x288: {  	v14 =	vmul.f32 s31, v14;
	[tilespmem:s30+$0xFFFFBE60] =	vst v18;
	v16 =	vld.idx.msk [tilespmem:v16+s16+$0x0], $0xffff;
	v12 =	vor.u32 v12, v13;
	v13 =	vor.u32 $0x100, v1  }
0x289: {  	v15 =	vmul.f32 s29, v15;
	v17 =	vld [tilespmem:s11+$0xFFFFFF80];
	v18 =	vand.u32 $0x7F, v9;
	v9 =	vshll.u32 v9, $0x2  }
0x28a: {  	v20 =	vld [tilespmem:s11+$0xFFFFFFC0];
	[tilespmem:s30+$0xFFFFBEE0] =	vst v14;
	v9 =	vand.u32 $0xFFFFFE00, v9;
	v14 =	vand.u32 $0x7F, v2;
	v2 =	vshll.u32 v2, $0x2  }
0x28b: {  	v21 =	vld [tilespmem:s11+$0x0];
	[tilespmem:s30+$0xFFFFBF60] =	vst v15;
	v15 =	vor.u32 $0x80, v12;
	v18 =	vor.u32 v18, v9;
	v2 =	vand.u32 $0xFFFFFE00, v2  }
0x28c: {  	v3 =	vor.u32 $0x180, v3;
	v9 =	vshll.u32 v19, $0x2;
	v22 =	vld.idx.msk [tilespmem:v10+s16+$0x0], $0xffff;
	v14 =	vor.u32 v14, v2;
	[tilespmem:s26+$0xFFFFC000] =	vst v11  }
0x28d: {  	v2 =	vand.u32 $0x7F, v19;
	v19 =	vor.u32 $0x80, v18;
	v9 =	vand.u32 $0xFFFFFE00, v9;
	v10 =	vld.idx.msk [tilespmem:v13+s16+$0x0], $0xffff  }
0x28e: {  	v13 =	vshll.u32 v17, $0x2;
	v11 =	vor.u32 v2, v9;
	v2 =	vld.idx.msk [tilespmem:v8+s16+$0x0], $0xffff;
	v8 =	vmul.f32 s29, v16  }
0x28f: {  	v1 =	vor.u32 $0x180, v1;
	v9 =	vand.u32 $0xFFFFFE00, v13;
	v13 =	vshll.u32 v20, $0x2;
	v7 =	vld.idx.msk [tilespmem:v7+s16+$0x0], $0xffff  }
0x290: {  	v16 =	vand.u32 $0x7F, v17;
	v13 =	vand.u32 $0xFFFFFE00, v13;
	v17 =	vshll.u32 v21, $0x2;
	[tilespmem:s30+$0xFFFFDFE0] =	vst v8;
	v23 =	vld.idx.msk [tilespmem:v12+s16+$0x0], $0xffff  }
0x291: {  	v8 =	vand.u32 $0x7F, v20;
	v20 =	vand.u32 $0x7F, v21;
	v17 =	vand.u32 $0xFFFFFE00, v17;
	v3 =	vld.idx.msk [tilespmem:v3+s16+$0x0], $0xffff  }
0x292: {  	v16 =	vor.u32 v16, v9;
	v13 =	vor.u32 v8, v13;
	v17 =	vor.u32 v20, v17;
	v20 =	vld.idx.msk [tilespmem:v18+s16+$0x0], $0xffff  }
0x293: {  	v21 =	vor.u32 $0x80, v16;
	v24 =	vor.u32 $0x80, v13;
	v25 =	vor.u32 $0x80, v17;
	v26 =	vld.idx.msk [tilespmem:v11+s16+$0x0], $0xffff;
	[tilespmem:s26+$0xFFFFE000] =	vst v10  }
0x294: {  	v27 =	vor.u32 $0x100, v16;
	v28 =	vor.u32 $0x100, v13;
	v29 =	vor.u32 $0x100, v17;
	v30 =	vld.idx.msk [tilespmem:v1+s16+$0x0], $0xffff  }
0x295: {  	v9 =	vor.u32 $0x180, v13;
	v10 =	vor.u32 $0x180, v16;
	v8 =	vor.u32 $0x180, v17;
	v31 =	vld.idx.msk [tilespmem:v14+s16+$0x0], $0xffff  }
0x296: {  	v1 =	vmul.f32 s29, v22;
	v22 =	vmul.f32 s31, v2;
	[tilespmem:s26+$0xFFFF9E80] =	vst v23;
	v23 =	vor.u32 $0x80, v14;
	v32 =	vld.idx.msk [tilespmem:v0+s16+$0x0], $0xffff  }
0x297: {  	s9 =	sadd.s32 $0x4, s9;
	s2 =	simm.f32 $2.000000000e+00;
	s17 =	simm.f32 $2.000000000e+00;
	v34 =	vor.u32 $0x100, v12;
	v33 =	vmul.f32 s29, v7;
	v0 =	vmul.f32 s29, v3;
	v16 =	vld.idx.msk [tilespmem:v16+s16+$0x0], $0xffff  }
0x298: {  	p1 =	sgt.u32 s9, $0x1F;
	p2 =	sgt.u32 s9, $0x1E;
	p0 =	slt.u32 s9, $0x3C;
	v35 =	vor.u32 $0x80, v11;
	v7 =	vor.u32 $0x100, v14;
	v3 =	vor.u32 $0x100, v18;
	v13 =	vld.idx.msk [tilespmem:v13+s16+$0x0], $0xffff;
	[tilespmem:s30+$0xFFFFDE60] =	vst v1  }
0x299: {  	s2 =	simm.s32 @!p1 $0x3F800000;
	s17 =	simm.s32 @!p2 $0x3F800000;
	v2 =	vor.u32 $0x180, v18;
	v1 =	vor.u32 $0x180, v12;
	v17 =	vld.idx.msk [tilespmem:v17+s16+$0x0], $0xffff;
	[tilespmem:s30+$0xFFFFFFE0] =	vst v0;
	v0 =	vor.u32 $0x180, v14  }
0x29a: {  	s21 =	sor.u32 $0x60, s1;
	v12 =	vmul.f32 s2, v26;
	v6 =	vld.idx.msk [tilespmem:v6+s16+$0x0], $0xffff;
	[tilespmem:s26+$0x0] =	vst v30  }
0x29b: {  	s30 =	sadd.s32 $0x200, s30;
	[tilespmem:s0+$0xFFFFDEE0] =	vst v22;
	v14 =	vld [tilespmem:s21+$0x0]  }
0x29c: {  	[tilespmem:s30+$0xFFFF9FD0] =	vst v12;
	v5 =	vld.idx.msk [tilespmem:v5+s16+$0x0], $0xffff  }
0x29d: {  	v12 =	vmul.f32 s2, v16;
	v16 =	vld.idx.msk [tilespmem:v35+s16+$0x0], $0xffff;
	[tilespmem:s0+$0xFFFFDF60] =	vst v33  }
0x29e: {  	v13 =	vmul.f32 s17, v13;
	v4 =	vld.idx.msk [tilespmem:v4+s16+$0x0], $0xffff;
	[tilespmem:s26+$0xFFFF9F00] =	vst v20  }
0x29f: {  	[tilespmem:s30+$0xFFFF9E50] =	vst v12;
	v12 =	vmul.f32 s2, v17;
	v15 =	vld.idx.msk [tilespmem:v15+s16+$0x0], $0xffff  }
0x2a0: {  	v6 =	vmul.f32 s29, v6;
	v17 =	vld.idx.msk [tilespmem:v21+s16+$0x0], $0xffff;
	[tilespmem:s30+$0xFFFF9ED0] =	vst v13;
	v13 =	vshll.u32 v14, $0x2  }
0x2a1: {  	v14 =	vand.u32 $0x7F, v14;
	v18 =	vld.idx.msk [tilespmem:v24+s16+$0x0], $0xffff;
	[tilespmem:s30+$0xFFFF9F50] =	vst v12;
	v12 =	vor.u32 $0x100, v11;
	v13 =	vand.u32 $0xFFFFFE00, v13  }
0x2a2: {  	v5 =	vmul.f32 s31, v5;
	s31 =	smov.u32 s17;
	v20 =	vld.idx.msk [tilespmem:v25+s16+$0x0], $0xffff;
	[tilespmem:s0+$0xFFFFFE60] =	vst v6;
	v6 =	vor.u32 v14, v13  }
0x2a3: {  	v13 =	vmul.f32 s2, v16;
	v14 =	vld [tilespmem:s28+$0xFFFFFFA0];
	[tilespmem:s26+$0xFFFF9F80] =	vst v31  }
0x2a4: {  	v4 =	vmul.f32 s29, v4;
	s29 =	smov.u32 s2;
	[tilespmem:s0+$0xFFFFFEE0] =	vst v5;
	v5 =	vld.idx.msk [tilespmem:v19+s16+$0x0], $0xffff  }
0x2a5: {  	[tilespmem:s30+$0xFFFFBFD0] =	vst v13;
	v13 =	vld [tilespmem:s20+$0x0]  }
0x2a6: {  	v16 =	vmul.f32 s29, v17;
	v12 =	vld.idx.msk [tilespmem:v12+s16+$0x0], $0xffff;
	[tilespmem:s0+$0xFFFFFF60] =	vst v4  }
0x2a7: {  	v4 =	vmul.f32 s31, v18;
	v17 =	vld.idx.msk [tilespmem:v6+s16+$0x0], $0xffff;
	[tilespmem:s26+$0xFFFFBE80] =	vst v15  }
0x2a8: {  	v15 =	vmul.f32 s29, v20;
	[tilespmem:s30+$0xFFFFBE50] =	vst v16;
	v16 =	vand.u32 $0x7F, v14;
	v14 =	vshll.u32 v14, $0x2;
	v18 =	vld [tilespmem:s28+$0x20]  }
0x2a9: {  	v19 =	vld.idx.msk [tilespmem:v27+s16+$0x0], $0xffff;
	[tilespmem:s30+$0xFFFFBED0] =	vst v4;
	v4 =	vand.u32 $0xFFFFFE00, v14;
	v14 =	vor.u32 $0x80, v6  }
0x2aa: {  	v20 =	vld.idx.msk [tilespmem:v28+s16+$0x0], $0xffff;
	[tilespmem:s30+$0xFFFFBF50] =	vst v15;
	v4 =	vor.u32 v16, v4;
	v15 =	vand.u32 $0x7F, v13;
	v13 =	vshll.u32 v13, $0x2  }
0x2ab: {  	v21 =	vor.u32 $0x180, v11;
	v16 =	vld.idx.msk [tilespmem:v29+s16+$0x0], $0xffff;
	v22 =	vor.u32 $0x80, v4;
	v13 =	vand.u32 $0xFFFFFE00, v13;
	[tilespmem:s26+$0xFFFFBF00] =	vst v5  }
0x2ac: {  	v5 =	vor.u32 $0x100, v4;
	v11 =	vor.u32 $0x180, v4;
	v13 =	vor.u32 v15, v13;
	v15 =	vld.idx.msk [tilespmem:v23+s16+$0x0], $0xffff;
	[tilespmem:s25+$0xFFFFFF80] =	vst v32;
	s25 =	smov.u32 s26;
	s26 =	smov.u32 s0;
	s0 =	smov.u32 s30  }
0x2ad: {  	v12 =	vmul.f32 s29, v12;
	v23 =	vand.u32 $0x7F, v18;
	v18 =	vshll.u32 v18, $0x2;
	[tilespmem:s26+$0xFFFF9FF0] =	vst v17;
	v17 =	vld.idx.msk [tilespmem:v34+s16+$0x0], $0xffff  }
0x2ae: {  	v24 =	vor.u32 $0x80, v13;
	v25 =	vor.u32 $0x100, v13;
	v18 =	vand.u32 $0xFFFFFE00, v18;
	v14 =	vld.idx.msk [tilespmem:v14+s16+$0x0], $0xffff  }
0x2af: {  	v19 =	vmul.f32 s29, v19;
	[tilespmem:s30+$0xFFFFDFD0] =	vst v12;
	v4 =	vld.idx.msk [tilespmem:v4+s16+$0x0], $0xffff;
	v12 =	vor.u32 $0x180, v13;
	v18 =	vor.u32 v23, v18  }
0x2b0: {  	v26 =	vor.u32 $0x100, v6;
	v20 =	vmul.f32 s31, v20;
	v21 =	vld.idx.msk [tilespmem:v21+s16+$0x0], $0xffff;
	v23 =	vor.u32 $0x80, v18  }
0x2b1: {  	v16 =	vmul.f32 s29, v16;
	v27 =	vor.u32 $0x180, v18;
	[tilespmem:s30+$0xFFFFDE50] =	vst v19;
	v13 =	vld.idx.msk [tilespmem:v13+s16+$0x0], $0xffff;
	v19 =	vor.u32 $0x100, v18  }
0x2b2: {  	v10 =	vld.idx.msk [tilespmem:v10+s16+$0x0], $0xffff;
	[tilespmem:s30+$0xFFFFDED0] =	vst v20  }
0x2b3: {  	v9 =	vld.idx.msk [tilespmem:v9+s16+$0x0], $0xffff;
	[tilespmem:s30+$0xFFFFDF50] =	vst v16  }
0x2b4: {  	v8 =	vld.idx.msk [tilespmem:v8+s16+$0x0], $0xffff;
	[tilespmem:s26+$0xFFFFBFF0] =	vst v14  }
0x2b5: {  	[tilespmem:s26+$0xFFFF9E70] =	vst v4;
	v4 =	vld.idx.msk [tilespmem:v26+s16+$0x0], $0xffff  }
0x2b6: {  	v14 =	vmul.f32 s29, v21;
	v16 =	vld.idx.msk [tilespmem:v18+s16+$0x0], $0xffff;
	[tilespmem:s25+$0xFFFFBF80] =	vst v15  }
0x2b7: {  	s1 =	sadd.s32 $0x100, s1;
	v6 =	vor.u32 $0x180, v6;
	v15 =	vld.idx.msk [tilespmem:v22+s16+$0x0], $0xffff;
	[tilespmem:s26+$0xFFFF9EF0] =	vst v13  }
0x2b8: {  	s17 =	sor.u32 $0x50, s1;
	s2 =	sadd.s32 $0xFFFFFF80, s1;
	v10 =	vmul.f32 s29, v10;
	[tilespmem:s30+$0xFFFFFFD0] =	vst v14;
	v13 =	vld.idx.msk [tilespmem:v24+s16+$0x0], $0xffff  }
0x2b9: {  	s22 =	sor.u32 $0x50, s2;
	s21 =	sor.u32 $0x70, s2;
	s20 =	sor.u32 $0x60, s2;
	v9 =	vmul.f32 s31, v9;
	v14 =	vld [tilespmem:s17+$0x0];
	[tilespmem:s25+$0xFFFFDE80] =	vst v17  }
0x2ba: {  	v8 =	vmul.f32 s29, v8;
	[tilespmem:s30+$0xFFFFFE50] =	vst v10;
	v10 =	vld.idx.msk [tilespmem:v3+s16+$0x0], $0xffff  }
0x2bb: {  	v3 =	vld [tilespmem:s11+$0xFFFFFF90];
	[tilespmem:s26+$0xFFFFDFF0] =	vst v4  }
0x2bc: {  	[tilespmem:s30+$0xFFFFFED0] =	vst v9;
	v4 =	vld.idx.msk [tilespmem:v6+s16+$0x0], $0xffff  }
0x2bd: {  	v6 =	vld [tilespmem:s22+$0x0];
	[tilespmem:s30+$0xFFFFFF50] =	vst v8  }
0x2be: {  	v8 =	vld [tilespmem:s11+$0x10];
	v9 =	vshll.u32 v14, $0x2;
	[tilespmem:s26+$0xFFFF9F70] =	vst v16  }
0x2bf: {  	v14 =	vand.u32 $0x7F, v14;
	v9 =	vand.u32 $0xFFFFFE00, v9;
	[tilespmem:s26+$0xFFFFBE70] =	vst v15;
	v15 =	vld.idx.msk [tilespmem:v23+s16+$0x0], $0xffff  }
0x2c0: {  	v16 =	vand.u32 $0x7F, v3;
	v17 =	vshll.u32 v3, $0x2;
	v3 =	vor.u32 v14, v9;
	v5 =	vld.idx.msk [tilespmem:v5+s16+$0x0], $0xffff;
	[tilespmem:s26+$0xFFFFBEF0] =	vst v13  }
0x2c1: {  	v9 =	vand.u32 $0xFFFFFE00, v17;
	v13 =	vld.idx.msk [tilespmem:v25+s16+$0x0], $0xffff;
	[tilespmem:s25+$0xFFFFDF00] =	vst v10  }
0x2c2: {  	s2 =	sor.u32 $0x70, s6;
	s6 =	smov.u32 s1;
	v9 =	vor.u32 v16, v9;
	v10 =	vand.u32 $0x7F, v6;
	v6 =	vshll.u32 v6, $0x2;
	[tilespmem:s26+$0xFFFFFFF0] =	vst v4;
	v14 =	vld.idx.msk [tilespmem:v7+s16+$0x0], $0xffff  }
0x2c3: {  	v4 =	vand.u32 $0xFFFFFE00, v6;
	v6 =	vand.u32 $0x7F, v8;
	v7 =	vshll.u32 v8, $0x2;
	v16 =	vld [tilespmem:s2+$0x0]  }
0x2c4: {  	v17 =	vor.u32 $0x80, v9;
	v18 =	vor.u32 v10, v4;
	v4 =	vand.u32 $0xFFFFFE00, v7;
	v20 =	vld.idx.msk [tilespmem:v1+s16+$0x0], $0xffff  }
0x2c5: {  	v10 =	vor.u32 $0x100, v9;
	v21 =	vor.u32 $0x80, v18;
	v1 =	vor.u32 v6, v4;
	v22 =	vld.idx.msk [tilespmem:v3+s16+$0x0], $0xffff;
	[tilespmem:s26+$0xFFFFBF70] =	vst v15  }
0x2c6: {  	v8 =	vor.u32 $0x100, v18;
	v15 =	vor.u32 $0x80, v1;
	v7 =	vor.u32 $0x100, v1;
	[tilespmem:s26+$0xFFFFDE70] =	vst v5;
	v19 =	vld.idx.msk [tilespmem:v19+s16+$0x0], $0xffff  }
0x2c7: {  	v6 =	vor.u32 $0x180, v9;
	v5 =	vor.u32 $0x180, v18;
	v4 =	vor.u32 $0x180, v1;
	v23 =	vld.idx.msk [tilespmem:v9+s16+$0x0], $0xffff;
	[tilespmem:s26+$0xFFFFDEF0] =	vst v13  }
0x2c8: {  	v9 =	vld.idx.msk [tilespmem:v11+s16+$0x0], $0xffff;
	v11 =	vshll.u32 v16, $0x2;
	[tilespmem:s25+$0xFFFFDF80] =	vst v14  }
0x2c9: {  	v14 =	vor.u32 $0x80, v3;
	v16 =	vand.u32 $0x7F, v16;
	v13 =	vld.idx.msk [tilespmem:v18+s16+$0x0], $0xffff;
	v11 =	vand.u32 $0xFFFFFE00, v11  }
0x2ca: {  	v18 =	vld.idx.msk [tilespmem:v1+s16+$0x0], $0xffff;
	v1 =	vor.u32 v16, v11;
	[tilespmem:s25+$0xFFFFFE80] =	vst v20  }
0x2cb: {  	v11 =	vmul.f32 s29, v22;
	v12 =	vld.idx.msk [tilespmem:v12+s16+$0x0], $0xffff  }
0x2cc: {  	[tilespmem:s26+$0xFFFFDF70] =	vst v19;
	v19 =	vld.idx.msk [tilespmem:v2+s16+$0x0], $0xffff  }
0x2cd: {  	v2 =	vmul.f32 s29, v23;
	[tilespmem:s30+$0xFFFF9FE0] =	vst v11;
	v11 =	vld.idx.msk [tilespmem:v27+s16+$0x0], $0xffff  }
0x2ce: {  	v20 =	vld.idx.msk [tilespmem:v14+s16+$0x0], $0xffff;
	[tilespmem:s26+$0xFFFFFE70] =	vst v9  }
0x2cf: {  	[tilespmem:s30+$0xFFFF9E60] =	vst v2;
	v2 =	vmul.f32 s31, v13;
	v13 =	vld.idx.msk [tilespmem:v1+s16+$0x0], $0xffff  }
0x2d0: {  	v9 =	vmul.f32 s29, v18;
	v22 =	vld.idx.msk [tilespmem:v17+s16+$0x0], $0xffff  }
0x2d1: {  	v24 =	vor.u32 $0x80, v1;
	[tilespmem:s30+$0xFFFF9EE0] =	vst v2;
	v23 =	vld [tilespmem:s28+$0xFFFFFFB0]  }
.Ltmp1:
0x2d2: {  	v14 =	vld.idx.msk [tilespmem:v21+s16+$0x0], $0xffff;
	[tilespmem:s30+$0xFFFF9F60] =	vst v9;
	(pc) =	sbr.rel @p0 .LBB2_5-.Ltmp1, $4  }
0x2d3: {  	v16 =	vor.u32 $0x100, v3;
	v15 =	vld.idx.msk [tilespmem:v15+s16+$0x0], $0xffff;
	[tilespmem:s26+$0xFFFFFEF0] =	vst v12  }
0x2d4: {  	v9 =	vld [tilespmem:s5+$0x0];
	[tilespmem:s26+$0xFFFFFF70] =	vst v11;
	s5 =	smov.u32 s21  }
0x2d5: {  	v17 =	vmul.f32 s29, v20;
	v2 =	vld [tilespmem:s28+$0x30];
	[tilespmem:s26+$0xFFFFA000] =	vst v13;
	s28 =	smov.u32 s11  }
0x2d6: {  	v18 =	vmul.f32 s29, v22;
	s11 =	sadd.s32 $0x100, s11;
	v12 =	vand.u32 $0x7F, v23;
	v13 =	vshll.u32 v23, $0x2;
	v11 =	vld.idx.msk [tilespmem:v24+s16+$0x0], $0xffff;
	[tilespmem:s25+$0xFFFFFF00] =	vst v19  }
0x2d7: {  	_ =	sdelay $0x2  }
0x2d8: {  	[tilespmem:s30+$0xFFFFBFE0] =	vst v17  }
0x2d9: {  	v14 =	vmul.f32 s31, v14;
	v16 =	vld.idx.msk [tilespmem:v16+s16+$0x0], $0xffff  }
0x2da: {  	[tilespmem:s30+$0xFFFFBE60] =	vst v18;
	v15 =	vmul.f32 s29, v15  }
0x2db: {  	v10 =	vld.idx.msk [tilespmem:v10+s16+$0x0], $0xffff;
	[tilespmem:s30+$0xFFFFBEE0] =	vst v14  }
0x2dc: {  	v3 =	vor.u32 $0x180, v3;
	[tilespmem:s30+$0xFFFFBF60] =	vst v15;
	v8 =	vld.idx.msk [tilespmem:v8+s16+$0x0], $0xffff  }
0x2dd: {  	v7 =	vld.idx.msk [tilespmem:v7+s16+$0x0], $0xffff  }
0x2de: {  	v40 =	vmul.f32 s29, v16;
	_ =	sdelay $0x1  }
0x2df: {  	v10 =	vmul.f32 s29, v10;
	[tilespmem:s30+$0xFFFFDFE0] =	vst v40  }
0x2e0: {  	v8 =	vmul.f32 s31, v8;
	v3 =	vld.idx.msk [tilespmem:v3+s16+$0x0], $0xffff  }
0x2e1: {  	[tilespmem:s30+$0xFFFFDE60] =	vst v10;
	v7 =	vmul.f32 s29, v7  }
0x2e2: {  	v6 =	vld.idx.msk [tilespmem:v6+s16+$0x0], $0xffff;
	[tilespmem:s0+$0xFFFFDEE0] =	vst v8  }
0x2e3: {  	v5 =	vld.idx.msk [tilespmem:v5+s16+$0x0], $0xffff;
	[tilespmem:s0+$0xFFFFDF60] =	vst v7  }
0x2e4: {  	v4 =	vld.idx.msk [tilespmem:v4+s16+$0x0], $0xffff  }
0x2e5: {  	v3 =	vmul.f32 s29, v3;
	_ =	sdelay $0x1  }
0x2e6: {  	s1 =	sor.u32 $0x60, s1;
	v6 =	vmul.f32 s29, v6;
	[tilespmem:s30+$0xFFFFFFE0] =	vst v3  }
0x2e7: {  	v5 =	vmul.f32 s31, v5;
	v3 =	vld [tilespmem:s1+$0x0]  }
0x2e8: {  	[tilespmem:s0+$0xFFFFFE60] =	vst v6;
	v4 =	vmul.f32 s29, v4  }
0x2e9: {  	v6 =	vld [tilespmem:s28+$0xFFFFFFA0];
	[tilespmem:s0+$0xFFFFFEE0] =	vst v5  }
0x2ea: {  	v5 =	vld [tilespmem:s20+$0x0];
	[tilespmem:s0+$0xFFFFFF60] =	vst v4  }
0x2eb: {  	v4 =	vld [tilespmem:s28+$0x20]  }
0x2ec: {  	v41 =	vshll.u32 v3, $0x2  }
0x2ed: {  	v3 =	vand.u32 $0x7F, v3;
	v7 =	vand.u32 $0xFFFFFE00, v41  }
0x2ee: {  	v42 =	vshll.u32 v6, $0x2;
	v6 =	vand.u32 $0x7F, v6;
	v3 =	vor.u32 v3, v7  }
0x2ef: {  	v43 =	vand.u32 $0xFFFFFE00, v42;
	v44 =	vshll.u32 v5, $0x2;
	v5 =	vand.u32 $0x7F, v5  }
0x2f0: {  	v6 =	vor.u32 v6, v43;
	v7 =	vand.u32 $0xFFFFFE00, v44;
	v45 =	vshll.u32 v4, $0x2  }
0x2f1: {  	v4 =	vand.u32 $0x7F, v4;
	v5 =	vor.u32 v5, v7;
	v46 =	vand.u32 $0xFFFFFE00, v45  }
0x2f2: {  	v4 =	vor.u32 v4, v46  }
0x2f3: {  	v47 =	vld.idx.msk [tilespmem:v3+s16+$0x0], $0xffff  }
0x2f4: {  	v48 =	vor.u32 $0x80, v3  }
0x2f5: {  	v10 =	vld.idx.msk [tilespmem:v6+s16+$0x0], $0xffff  }
0x2f6: {  	v49 =	vor.u32 $0x80, v6;
	v50 =	vld.idx.msk [tilespmem:v5+s16+$0x0], $0xffff  }
0x2f7: {  	v51 =	vor.u32 $0x80, v5;
	v52 =	vld.idx.msk [tilespmem:v4+s16+$0x0], $0xffff  }
0x2f8: {  	v53 =	vor.u32 $0x80, v4;
	[tilespmem:s0+$0xFFFF9FF0] =	vst v47  }
0x2f9: {  	v8 =	vld.idx.msk [tilespmem:v48+s16+$0x0], $0xffff  }
0x2fa: {  	v54 =	vor.u32 $0x100, v3;
	[tilespmem:s0+$0xFFFF9E70] =	vst v10  }
0x2fb: {  	v14 =	vld.idx.msk [tilespmem:v49+s16+$0x0], $0xffff;
	[tilespmem:s0+$0xFFFF9EF0] =	vst v50  }
0x2fc: {  	v55 =	vor.u32 $0x100, v6;
	v15 =	vld.idx.msk [tilespmem:v51+s16+$0x0], $0xffff;
	[tilespmem:s0+$0xFFFF9F70] =	vst v52  }
0x2fd: {  	v56 =	vor.u32 $0x100, v5;
	v7 =	vld.idx.msk [tilespmem:v53+s16+$0x0], $0xffff  }
0x2fe: {  	v57 =	vor.u32 $0x100, v4;
	[tilespmem:s0+$0xFFFFBFF0] =	vst v8  }
0x2ff: {  	v8 =	vld.idx.msk [tilespmem:v54+s16+$0x0], $0xffff  }
0x300: {  	v3 =	vor.u32 $0x180, v3;
	[tilespmem:s0+$0xFFFFBE70] =	vst v14  }
0x301: {  	v59 =	vor.u32 $0x100, v1;
	v58 =	vld.idx.msk [tilespmem:v55+s16+$0x0], $0xffff;
	[tilespmem:s0+$0xFFFFBEF0] =	vst v15  }
0x302: {  	v6 =	vor.u32 $0x180, v6;
	v15 =	vld.idx.msk [tilespmem:v56+s16+$0x0], $0xffff;
	[tilespmem:s0+$0xFFFFBF70] =	vst v7  }
0x303: {  	v61 =	vshll.u32 v9, $0x2;
	v5 =	vor.u32 $0x180, v5;
	v7 =	vld.idx.msk [tilespmem:v57+s16+$0x0], $0xffff  }
0x304: {  	v62 =	vand.u32 $0x7F, v9;
	v4 =	vor.u32 $0x180, v4;
	v10 =	vand.u32 $0xFFFFFE00, v61;
	[tilespmem:s0+$0xFFFFDFF0] =	vst v8  }
0x305: {  	[tilespmem:s26+$0xFFFFC000] =	vst v11;
	v9 =	vor.u32 v62, v10;
	v3 =	vld.idx.msk [tilespmem:v3+s16+$0x0], $0xffff  }
0x306: {  	v13 =	vand.u32 $0xFFFFFE00, v13;
	v11 =	vld.idx.msk [tilespmem:v59+s16+$0x0], $0xffff;
	[tilespmem:s0+$0xFFFFDE70] =	vst v58  }
0x307: {  	v60 =	vor.u32 v12, v13;
	v6 =	vld.idx.msk [tilespmem:v6+s16+$0x0], $0xffff;
	[tilespmem:s0+$0xFFFFDEF0] =	vst v15  }
0x308: {  	v5 =	vld.idx.msk [tilespmem:v5+s16+$0x0], $0xffff;
	[tilespmem:s0+$0xFFFFDF70] =	vst v7  }
0x309: {  	v4 =	vld.idx.msk [tilespmem:v4+s16+$0x0], $0xffff  }
0x30a: {  	s22 =	sor.u32 $0x70, s6;
	v21 =	vld.idx.msk [tilespmem:v9+s16+$0x0], $0xffff;
	[tilespmem:s0+$0xFFFFFFF0] =	vst v3  }
0x30b: {  	v25 =	vor.u32 $0x80, v9;
	v19 =	vld [tilespmem:s22+$0x0]  }
0x30c: {  	v63 =	vld.idx.msk [tilespmem:v60+s16+$0x0], $0xffff;
	[tilespmem:s0+$0xFFFFFE70] =	vst v6  }
0x30d: {  	v6 =	vld [tilespmem:s28+$0xFFFFFFB0];
	[tilespmem:s0+$0xFFFFFEF0] =	vst v5  }
0x30e: {  	v22 =	vor.u32 $0x180, v1;
	v5 =	vld [tilespmem:s5+$0x0];
	[tilespmem:s0+$0xFFFFFF70] =	vst v4  }
0x30f: {  	v23 =	vor.u32 $0x80, v60;
	v18 =	vshll.u32 v2, $0x2;
	v20 =	vand.u32 $0x7F, v2;
	[tilespmem:s26+$0xFFFF9F00] =	vst v21;
	v24 =	vld [tilespmem:s28+$0x30]  }
0x310: {  	v41 =	vor.u32 $0x100, v9;
	v13 =	vld.idx.msk [tilespmem:v25+s16+$0x0], $0xffff;
	v3 =	vand.u32 $0xFFFFFE00, v18;
	v26 =	vshll.u32 v19, $0x2  }
0x311: {  	v2 =	vor.u32 v20, v3;
	v10 =	vand.u32 $0x7F, v19;
	v14 =	vand.u32 $0xFFFFFE00, v26  }
0x312: {  	v27 =	vshll.u32 v6, $0x2;
	v6 =	vand.u32 $0x7F, v6;
	v10 =	vor.u32 v10, v14  }
0x313: {  	v0 =	vld.idx.msk [tilespmem:v0+s16+$0x0], $0xffff;
	[tilespmem:s26+$0xFFFFE000] =	vst v11;
	v29 =	vand.u32 $0xFFFFFE00, v27;
	v31 =	vshll.u32 v5, $0x2;
	v33 =	vand.u32 $0x7F, v5  }
0x314: {  	v1 =	vld.idx.msk [tilespmem:v22+s16+$0x0], $0xffff;
	[tilespmem:s26+$0xFFFF9E80] =	vst v63;
	v6 =	vor.u32 v6, v29;
	v34 =	vand.u32 $0xFFFFFE00, v31;
	v35 =	vshll.u32 v24, $0x2  }
0x315: {  	v32 =	vld.idx.msk [tilespmem:v23+s16+$0x0], $0xffff;
	[tilespmem:s26+$0xFFFFBF00] =	vst v13;
	v12 =	vand.u32 $0x7F, v24;
	v4 =	vor.u32 v33, v34;
	v36 =	vand.u32 $0xFFFFFE00, v35  }
0x316: {  	v50 =	vld.idx.msk [tilespmem:v41+s16+$0x0], $0xffff;
	v5 =	vor.u32 v12, v36  }
0x317: {  	v9 =	vor.u32 $0x180, v9;
	v28 =	vld.idx.msk [tilespmem:v2+s16+$0x0], $0xffff  }
0x318: {  	[tilespmem:s25+$0xFFFFFF80] =	vst v0;
	v30 =	vor.u32 $0x80, v2;
	v38 =	vld.idx.msk [tilespmem:v10+s16+$0x0], $0xffff  }
0x319: {  	[tilespmem:s26+$0x0] =	vst v1;
	v40 =	vor.u32 $0x80, v10;
	v42 =	vld.idx.msk [tilespmem:v6+s16+$0x0], $0xffff  }
0x31a: {  	[tilespmem:s26+$0xFFFFBE80] =	vst v32;
	v43 =	vor.u32 $0x80, v6;
	v44 =	vld.idx.msk [tilespmem:v4+s16+$0x0], $0xffff  }
0x31b: {  	[tilespmem:s26+$0xFFFFDF00] =	vst v50;
	v45 =	vor.u32 $0x80, v4;
	v46 =	vld.idx.msk [tilespmem:v5+s16+$0x0], $0xffff  }
0x31c: {  	v9 =	vld.idx.msk [tilespmem:v9+s16+$0x0], $0xffff;
	[tilespmem:s26+$0xFFFF9F80] =	vst v28;
	v47 =	vor.u32 $0x80, v5  }
0x31d: {  	v37 =	vor.u32 $0x100, v60;
	v39 =	vld.idx.msk [tilespmem:v30+s16+$0x0], $0xffff;
	[tilespmem:s0+$0xFFFFA000] =	vst v38  }
0x31e: {  	v48 =	vor.u32 $0x100, v2;
	v49 =	vld.idx.msk [tilespmem:v40+s16+$0x0], $0xffff;
	[tilespmem:s0+$0xFFFF9E80] =	vst v42  }
0x31f: {  	v51 =	vor.u32 $0x100, v10;
	[tilespmem:s0+$0xFFFF9F00] =	vst v44;
	v53 =	vld.idx.msk [tilespmem:v43+s16+$0x0], $0xffff  }
0x320: {  	v54 =	vor.u32 $0x100, v6;
	[tilespmem:s0+$0xFFFF9F80] =	vst v46;
	v0 =	vld.idx.msk [tilespmem:v45+s16+$0x0], $0xffff  }
0x321: {  	v55 =	vor.u32 $0x100, v4;
	[tilespmem:s26+$0xFFFFFF00] =	vst v9;
	v11 =	vld.idx.msk [tilespmem:v47+s16+$0x0], $0xffff  }
0x322: {  	v12 =	vld.idx.msk [tilespmem:v37+s16+$0x0], $0xffff;
	v57 =	vor.u32 $0x100, v5;
	[tilespmem:s26+$0xFFFFBF80] =	vst v39  }
0x323: {  	v52 =	vor.u32 $0x180, v60;
	v56 =	vld.idx.msk [tilespmem:v48+s16+$0x0], $0xffff;
	[tilespmem:s0+$0xFFFFC000] =	vst v49  }
0x324: {  	v2 =	vor.u32 $0x180, v2;
	v58 =	vld.idx.msk [tilespmem:v51+s16+$0x0], $0xffff;
	[tilespmem:s0+$0xFFFFBE80] =	vst v53  }
0x325: {  	v10 =	vor.u32 $0x180, v10;
	[tilespmem:s0+$0xFFFFBF00] =	vst v0;
	v59 =	vld.idx.msk [tilespmem:v54+s16+$0x0], $0xffff  }
0x326: {  	v6 =	vor.u32 $0x180, v6;
	[tilespmem:s0+$0xFFFFBF80] =	vst v11;
	v60 =	vld.idx.msk [tilespmem:v55+s16+$0x0], $0xffff  }
0x327: {  	v4 =	vor.u32 $0x180, v4;
	[tilespmem:s26+$0xFFFFDE80] =	vst v12;
	v1 =	vld.idx.msk [tilespmem:v57+s16+$0x0], $0xffff  }
0x328: {  	v5 =	vor.u32 $0x180, v5;
	v3 =	vld.idx.msk [tilespmem:v52+s16+$0x0], $0xffff;
	[tilespmem:s26+$0xFFFFDF80] =	vst v56  }
0x329: {  	v2 =	vld.idx.msk [tilespmem:v2+s16+$0x0], $0xffff;
	[tilespmem:s0+$0xFFFFE000] =	vst v58  }
0x32a: {  	v61 =	vld.idx.msk [tilespmem:v10+s16+$0x0], $0xffff;
	[tilespmem:s0+$0xFFFFDE80] =	vst v59  }
0x32b: {  	[tilespmem:s0+$0xFFFFDF00] =	vst v60;
	v0 =	vld.idx.msk [tilespmem:v6+s16+$0x0], $0xffff  }
0x32c: {  	[tilespmem:s0+$0xFFFFDF80] =	vst v1;
	v62 =	vld.idx.msk [tilespmem:v4+s16+$0x0], $0xffff  }
0x32d: {  	s23 =	sadd.s32 $0x1, s23;
	[tilespmem:s26+$0xFFFFFE80] =	vst v3;
	v63 =	vld.idx.msk [tilespmem:v5+s16+$0x0], $0xffff  }
0x32e: {  	p0 =	sne.s32 s23, $0x10;
	[tilespmem:s26+$0xFFFFFF80] =	vst v2  }
.Ltmp2:
0x32f: {  	[tilespmem:s0+$0x0] =	vst v61;
	(pc) =	sbr.rel @p0 .LBB2_2-.Ltmp2, $4  }
0x330: {  	[tilespmem:s0+$0xFFFFFE80] =	vst v0  }
0x331: {  	s29 =	sshll.u32 s24, $0xC;
	[tilespmem:s0+$0xFFFFFF00] =	vst v62  }
0x332: {  	s31 =	simm.s32 $0xD400;
	s30 =	sadd.s32 s29, s8;
	[tilespmem:s0+$0xFFFFFF80] =	vst v63  }
0x333: {  	[hbm4b:s30+s3] =	stream.linear.scatter [tilespmem:s31], [sflag:$0x4], $0x8000, $0x38;
	[tilespmem:$0x15400] =	vst v63  }
0x334: {  	s0 =	simm.s32 $0x3  }
0x335: {  	_ =	swait.ge [sflag:s0], $0x8000  }
0x336: {  	[sflag:s0] =	ssyncset.done $0x0  }
0x337: {  	s1 =	simm.s32 $0x4;
	[sflag:s0] =	ssyncadd.s32 $0xFFFF8000  }
0x338: {  	_ =	swait.ge [sflag:s1], $0x8000  }
0x339: {  	s2 =	rddreg [dreg:$0x6]  }
0x33a: {  	s31 =	rddreg [dreg:$0x5];
	s2 =	sadd.s32 $0x1, s2  }
0x33b: {  	p0 =	sne.s32 s2, s31  }
.Ltmp3:
0x33c: {  	_ = 	snop;
	(pc) =	sbr.rel @p0 .LBB2_1-.Ltmp3, $3  }
0x33d: {  	_ =	sdelay $0x1  }
0x33e: {  	[sflag:s1] =	ssyncset.done $0x0  }
0x33f: {  	[sflag:s1] =	ssyncadd.s32 $0xFFFF8000  }
0x340: {  	_ =	sfence.sel $0x180000  }
0x341: {  	[bflag:$0x0] =	sbarrier.arrive $0xFFFF  }
0x342: {  	_ =	strace $0x90000047  }
0x343: {  	s0 =	stileid.u32;
	[bflag:$0x2] =	sbarrier.arrive $0xFFFF  }
0x344: {  	p0 =	sne.s32 s0, $0x0;
	s0 =	rddreg [dreg:$0x2]  }
0x345: {  	s0 =	sadd.s32 @!p0 $0x100000, s0  }
0x346: {  	[sflag:s0] =	ssyncadd.tile.s32 @!p0 $0x1;
	_ =	shalt  }
.Lfunc_end2:
_tile_overlayer_lowered:
.L_overlay_start_2:
0x347: {  	(tag) =	ssettag $0x2  }
0x348: {  	s0 =	rddreg [dreg:$0x0];
	s2 =	stileid.u32  }
0x349: {  	s1 =	rddreg [dreg:$0x1];
	p0 =	sne.s32 s2, $0x0  }
0x34a: {  	s3 =	rddreg [dreg:$0x2];
	[bflag:$0x3] =	sbarrier.arrive $0xFFFF;
	s2 =	simm.s32 @!p0 $0x1C05  }
0x34b: {  	[timem:s3], [sflag:s2] =	dma.local @!p0 [hbm:s0], s1  }
0x34c: {  	s0 =	simm.s32 @!p0 $0x5  }
0x34d: {  	_ =	swait.ge @!p0 [sflag:s0], s1  }
0x34e: {  	s1 =	ssub.s32 @!p0 $0x0, s1;
	[sflag:s0] =	ssyncset.done @!p0 $0x0  }
0x34f: {  	[sflag:s0] =	ssyncadd.s32 @!p0 s1  }
0x350: {  	[bflag:$0x3] =	sbarrier.arrive $0xFFFF  }
0x351: {  	_ =	shalt  }

</sc_bundles>
